<compile_context>
chip_gen: v7x
topology: tpu7x:2x2x1
jax: 0.10.2.dev20260603
libtpu: 0.0.44.dev20260713+nightly
codegen_flags: <defaults>
</compile_context>

<pallas_src>
import functools

import jax
import jax.numpy as jnp
from jax import lax
from jax.experimental import pallas as pl
from jax.experimental.pallas import tpu as pltpu
from jax.experimental.pallas import tpu_sc as plsc

_T = 1024
_NB = 128
_CH = 128
_GB = 4
_K = 1


def _sc_gather(y, idx2):
  _, d = y.shape
  nw, cpw, _ = idx2.shape
  info = plsc.get_sparse_core_info()
  nc = info.num_cores
  rounds = cpw // _GB
  nchunks = nw * cpw

  mesh = plsc.VectorSubcoreMesh(core_axis_name="c", subcore_axis_name="s")

  @functools.partial(
      pl.kernel,
      mesh=mesh,
      out_type=jax.ShapeDtypeStruct((nchunks, _CH, d), jnp.float32),
      scratch_types=[
          pltpu.VMEM((cpw, _CH), jnp.int32),
          pltpu.VMEM((_GB, _CH, d), jnp.float32),
          pltpu.SemaphoreType.DMA,
          pltpu.SemaphoreType.DMA,
      ],
  )
  def gk(y_hbm, idx_hbm, out_hbm, idx_v, rows_v, sem_g, sem_s):
    wid = lax.axis_index("s") * nc + lax.axis_index("c")
    pltpu.sync_copy(idx_hbm.at[wid], idx_v)
    chunk0 = wid * cpw

    def rnd(j, carry):
      @pl.when(j > 0)
      def _():
        pltpu.make_async_copy(
            rows_v, out_hbm.at[pl.ds(chunk0 + (j - 1) * _GB, _GB)],
            sem_s).wait()

      handles = []
      for b in range(_GB):
        handles.append(pltpu.async_copy(
            y_hbm.at[idx_v.at[j * _GB + b]], rows_v.at[b], sem_g))
      for hh in handles:
        hh.wait()
      pltpu.async_copy(
          rows_v, out_hbm.at[pl.ds(chunk0 + j * _GB, _GB)], sem_s)
      return carry

    lax.fori_loop(0, rounds, rnd, 0)
    pltpu.make_async_copy(
        rows_v, out_hbm.at[pl.ds(chunk0 + (rounds - 1) * _GB, _GB)],
        sem_s).wait()

  return gk(y, idx2)


def _make_tc_body(lo, hi, first):

  def tc_body(*args):
    if first:
      (start_ref, nchunk_ref, rs1_ref, rs2_ref, y_ref, w1a_ref, w1b_ref,
       b1_ref, w2_ref, b2_ref, rep_ref, out_ref, rep_buf, s_acc,
       sem) = args
      prev_ref = None
    else:
      (start_ref, nchunk_ref, rs1_ref, rs2_ref, y_ref, w1a_ref, w1b_ref,
       b1_ref, w2_ref, b2_ref, prev_ref, rep_ref, out_ref, rep_buf,
       s_acc, sem) = args

    nb = pl.program_id(0)
    e_start = start_ref[nb]
    nch = nchunk_ref[nb]

    rs1 = rs1_ref[0]
    rs2 = rs2_ref[0]

    def dma(i):
      slot = lax.rem(i, 2)
      e0 = pl.multiple_of(e_start + i * _T - lo, 16)
      return pltpu.make_async_copy(
          rep_ref.at[pl.ds(e0, _T)], rep_buf.at[slot], sem.at[slot])

    @pl.when(nch > 0)
    def _():
      dma(0).start()
      bblk = jnp.dot(y_ref[...].astype(jnp.bfloat16),
                     w1b_ref[...].astype(jnp.bfloat16),
                     preferred_element_type=jnp.float32) + b1_ref[...]
      wcat = jnp.concatenate(
          [w1a_ref[...], bblk], axis=0).astype(jnp.bfloat16)

      s_acc[...] = jnp.zeros_like(s_acc)

      def chunk(i, carry):
        @pl.when(i + 1 < nch)
        def _():
          dma(i + 1).start()
        dma(i).wait()
        e0 = e_start + i * _T
        eg = e0 + lax.broadcasted_iota(jnp.int32, (_T, _NB), 0)
        oh = (jnp.logical_and(eg >= jnp.maximum(rs1, lo),
                              eg < jnp.minimum(rs2, hi))
              ).astype(jnp.bfloat16)
        x = jnp.concatenate(
            [rep_buf[lax.rem(i, 2)].astype(jnp.bfloat16), oh], axis=1)
        a = jnp.dot(x, wcat, preferred_element_type=jnp.float32)
        hid = 0.5 * a * (1.0 + lax.erf(a * 0.7071067811865476))
        s_acc[...] += lax.dot_general(
            oh, hid.astype(jnp.bfloat16), (((0,), (0,)), ((), ())),
            preferred_element_type=jnp.float32)
        return carry

      lax.fori_loop(0, nch, chunk, 0)

      acc = jnp.dot(
          s_acc[...].astype(jnp.bfloat16), w2_ref[...].astype(jnp.bfloat16),
          preferred_element_type=jnp.float32)
      if first:
        cnt = (rs2 - rs1).astype(jnp.float32).reshape(_NB, 1)
        out_ref[...] = acc + cnt * b2_ref[...]
      else:
        out_ref[...] = prev_ref[...] + acc

    @pl.when(nch == 0)
    def _():
      if first:
        cnt = (rs2 - rs1).astype(jnp.float32).reshape(_NB, 1)
        out_ref[...] = cnt * b2_ref[...]
      else:
        out_ref[...] = prev_ref[...]

  return tc_body


def kernel(y, neighbors_index, neighbors_row_splits, W1, b1, W2, b2):
  n, d = y.shape
  e = neighbors_index.shape[0]
  h = W1.shape[1]
  nblk = -(-n // _NB)
  n_pad = nblk * _NB

  info = plsc.get_sparse_core_info()
  nw = info.num_cores * info.num_subcores
  align = nw * _CH * _GB
  w_win = -(-e // (_K * align)) * align
  e_pad = _K * w_win
  ov = align
  cpw = (w_win + ov) // (nw * _CH)

  idx_pad = jnp.concatenate(
      [neighbors_index.astype(jnp.int32),
       jnp.zeros((e_pad + ov - e,), jnp.int32)])

  reps = []
  for k in range(_K):
    idx2 = lax.slice_in_dim(idx_pad, k * w_win, k * w_win + w_win + ov)
    reps.append(_sc_gather(y, idx2.reshape(nw, cpw, _CH)))

  rs = neighbors_row_splits.astype(jnp.int32)
  rs_pad = jnp.concatenate([rs, jnp.full((n_pad - n,), e, jnp.int32)])
  jj = jnp.arange(n_pad)
  rs1 = rs_pad[jj].reshape(nblk, 1, _NB)
  rs2 = rs_pad[jj + 1].reshape(nblk, 1, _NB)
  bb = jnp.arange(nblk)
  blk_lo = rs_pad[bb * _NB]
  blk_hi = rs_pad[(bb + 1) * _NB]

  y_pad = jnp.concatenate([y, jnp.zeros((n_pad - n, d), y.dtype)])
  w1a = W1[:d]
  w1b = W1[d:]
  b1r = b1.reshape(1, h)
  b2r = b2.reshape(1, d)

  base_specs = [
      pl.BlockSpec((1, 1, _NB), lambda i, *_: (i, 0, 0)),
      pl.BlockSpec((1, 1, _NB), lambda i, *_: (i, 0, 0)),
      pl.BlockSpec((_NB, d), lambda i, *_: (i, 0)),
      pl.BlockSpec((d, h), lambda i, *_: (0, 0)),
      pl.BlockSpec((d, h), lambda i, *_: (0, 0)),
      pl.BlockSpec((1, h), lambda i, *_: (0, 0)),
      pl.BlockSpec((h, d), lambda i, *_: (0, 0)),
      pl.BlockSpec((1, d), lambda i, *_: (0, 0)),
  ]

  out = None
  for k in range(_K):
    lo, hi = k * w_win, (k + 1) * w_win
    first = k == 0
    s_k = jnp.maximum((blk_lo // 16) * 16, lo)
    e_k = jnp.minimum(blk_hi, hi)
    nch_k = jnp.maximum(0, (e_k - s_k + _T - 1) // _T)

    in_specs = list(base_specs)
    operands = [rs1, rs2, y_pad, w1a, w1b, b1r, W2, b2r]
    if not first:
      in_specs.append(pl.BlockSpec((_NB, d), lambda i, *_: (i, 0)))
      operands.append(out)
    in_specs.append(pl.BlockSpec(memory_space=pltpu.MemorySpace.HBM))
    operands.append(reps[k].reshape(w_win + ov, d))

    grid_spec = pltpu.PrefetchScalarGridSpec(
        num_scalar_prefetch=2,
        grid=(nblk,),
        in_specs=in_specs,
        out_specs=pl.BlockSpec((_NB, d), lambda i, *_: (i, 0)),
        scratch_shapes=[
            pltpu.VMEM((2, _T, d), jnp.float32),
            pltpu.VMEM((_NB, h), jnp.float32),
            pltpu.SemaphoreType.DMA((2,)),
        ],
    )
    out = pl.pallas_call(
        _make_tc_body(lo, hi, first),
        grid_spec=grid_spec,
        out_shape=jax.ShapeDtypeStruct((n_pad, d), jnp.float32),
        compiler_params=pltpu.CompilerParams(
            dimension_semantics=("arbitrary",)),
    )(s_k, nch_k, *operands)
  return out[:n]

# --- scband reference (transcript-rebuilt; emitter-appended) ---
"""Pipeline reference for scband-integral-transform-77721728188841 (READ-ONLY COPY).

The authoritative reference and input builder live on the scoring server;
editing this copy changes nothing except your own understanding.
"""

import jax, jax.numpy as jnp
import numpy as np

N = 10000
E = 320000
D = 128
H = 512

def setup_inputs(seed: int = 0) -> dict:
    key = jax.random.key(seed)
    k1, k2, k3, k4, k5 = jax.random.split(key, 5)
    y = jax.random.normal(k1, (N, D), dtype=jnp.float32)
    neighbors_index = jax.random.randint(k2, (E,), 0, N, dtype=jnp.int32)
    inner = jnp.sort(jax.random.randint(k3, (N - 1,), 0, E + 1, dtype=jnp.int32))
    neighbors_row_splits = jnp.concatenate([
        jnp.zeros((1,), dtype=jnp.int32), inner,
        jnp.full((1,), E, dtype=jnp.int32)
    ])
    # LinearChannelMLP params: layers = [2*D, H, D], gelu between layers (none after last)
    W1 = jax.random.normal(k4, (2 * D, H), dtype=jnp.float32) * (1.0 / np.sqrt(2 * D))
    b1 = jnp.zeros((H,), dtype=jnp.float32)
    W2 = jax.random.normal(k5, (H, D), dtype=jnp.float32) * (1.0 / np.sqrt(H))
    b2 = jnp.zeros((D,), dtype=jnp.float32)
    return {
        "y": y,
        "neighbors_index": neighbors_index,
        "neighbors_row_splits": neighbors_row_splits,
        "W1": W1, "b1": b1, "W2": W2, "b2": b2,
    }

def reference(y, neighbors_index, neighbors_row_splits, W1, b1, W2, b2):
    # IntegralTransform forward: x=y, f_y=None, weights=None, transform_type='linear', reduction='sum'
    rep_features = y[neighbors_index]                                  # gather: [E, D]
    num_reps = neighbors_row_splits[1:] - neighbors_row_splits[:-1]    # [N]
    self_features = jnp.repeat(y, num_reps, axis=0, total_repeat_length=E)  # [E, D]
    agg_features = jnp.concatenate([rep_features, self_features], axis=-1)  # [E, 2D]
    # channel MLP (LinearChannelMLP with gelu between layers, exact erf gelu as torch F.gelu)
    h = jax.nn.gelu(agg_features @ W1 + b1, approximate=False)
    edge_features = h @ W2 + b2                                        # [E, D]
    # segment_csr with reduction='sum'
    segment_ids = jnp.repeat(jnp.arange(N, dtype=jnp.int32), num_reps, total_repeat_length=E)
    out_features = jax.ops.segment_sum(edge_features, segment_ids, num_segments=N)  # [N, D]
    return out_features

if __name__ == "__main__":
    import jax
    _d = setup_inputs()
    print(jax.jit(kernel)(*tuple(_d.values())))

</pallas_src>

<mosaic_0001>
#map = affine_map<(d0, d1) -> (0, 0)>
#map1 = affine_map<(d0, d1) -> (0, 0, 0)>
module attributes {stable_mosaic.version = 14 : i64} {
  func.func @gk(%arg0: i32, %arg1: i32, %arg2: memref<10000x128xf32, #tpu.memory_space<hbm>>, %arg3: memref<32x84x128xi32, #tpu.memory_space<hbm>>, %arg4: memref<2688x128x128xf32, #tpu.memory_space<hbm>>, %arg5: memref<84x128xi32, #tpu.memory_space<vmem>>, %arg6: memref<4x128x128xf32, #tpu.memory_space<vmem>>, %arg7: memref<!tpu.dma_semaphore, #tpu.memory_space<semaphore_mem>>, %arg8: memref<!tpu.dma_semaphore, #tpu.memory_space<semaphore_mem>>) attributes {dimension_semantics = [#tpu.dimension_semantics<core_parallel>, #tpu.dimension_semantics<subcore_parallel>], iteration_bounds = array<i64: 2, 16>, scalar_prefetch = 0 : i64, scratch_operands = 4 : i64, tpu.core_type = #tpu.core_type<sc_vector_subcore>, window_params = [{transform_indices = #map}, {transform_indices = #map1}, {transform_indices = #map1}]} {
    %mul3A = arith.constant 2 : i32
    %mul3A_0 = arith.muli %arg1, %mul3A : i32
    %add3A = arith.addi %mul3A_0, %arg0 : i32
    "tpu.region"() ({
      %run_scoped3A = tpu.sem_alloc : memref<!tpu.dma_semaphore, #tpu.memory_space<semaphore_mem>>
      %dma_start3A = arith.constant 0 : i32
      %dma_start3A_15 = arith.constant 0 : i32
      %dma_start3A_16 = tpu.memref_slice %arg3[%add3A, %dma_start3A, %dma_start3A_15] : memref<32x84x128xi32, #tpu.memory_space<hbm>> -> memref<1x84x128xi32, #tpu.memory_space<hbm>>
      %dma_start3A_17 = tpu.memref_squeeze %dma_start3A_16 : memref<1x84x128xi32, #tpu.memory_space<hbm>> -> memref<84x128xi32, #tpu.memory_space<hbm>>
      %dma_start3A_18 = arith.constant 0 : i32
      %dma_start3A_19 = arith.constant 0 : i32
      %dma_start3A_20 = tpu.memref_slice %arg3[%add3A, %dma_start3A_18, %dma_start3A_19] : memref<32x84x128xi32, #tpu.memory_space<hbm>> -> memref<1x84x128xi32, #tpu.memory_space<hbm>>
      %dma_start3A_21 = tpu.memref_squeeze %dma_start3A_20 : memref<1x84x128xi32, #tpu.memory_space<hbm>> -> memref<84x128xi32, #tpu.memory_space<hbm>>
      tpu.enqueue_dma source(%dma_start3A_21 : memref<84x128xi32, #tpu.memory_space<hbm>>) target(%arg5 : memref<84x128xi32, #tpu.memory_space<vmem>>) target_semaphore(%run_scoped3A : memref<!tpu.dma_semaphore, #tpu.memory_space<semaphore_mem>>)
      %dma_wait3A_22 = arith.constant 0 : i32
      %dma_wait3A_23 = arith.constant 0 : i32
      %dma_wait3A_24 = tpu.memref_slice %arg3[%add3A, %dma_wait3A_22, %dma_wait3A_23] : memref<32x84x128xi32, #tpu.memory_space<hbm>> -> memref<1x84x128xi32, #tpu.memory_space<hbm>>
      %dma_wait3A_25 = tpu.memref_squeeze %dma_wait3A_24 : memref<1x84x128xi32, #tpu.memory_space<hbm>> -> memref<84x128xi32, #tpu.memory_space<hbm>>
      %dma_wait3A_26 = arith.constant 0 : i32
      %dma_wait3A_27 = arith.constant 0 : i32
      %dma_wait3A_28 = tpu.memref_slice %arg3[%add3A, %dma_wait3A_26, %dma_wait3A_27] : memref<32x84x128xi32, #tpu.memory_space<hbm>> -> memref<1x84x128xi32, #tpu.memory_space<hbm>>
      %dma_wait3A_29 = tpu.memref_squeeze %dma_wait3A_28 : memref<1x84x128xi32, #tpu.memory_space<hbm>> -> memref<84x128xi32, #tpu.memory_space<hbm>>
      tpu.wait_dma2 semaphore(%run_scoped3A : memref<!tpu.dma_semaphore, #tpu.memory_space<semaphore_mem>>) src(%dma_wait3A_29 : memref<84x128xi32, #tpu.memory_space<hbm>>) dst(%arg5 : memref<84x128xi32, #tpu.memory_space<vmem>>)
      tpu.yield
    }) : () -> ()
    %mul3A_1 = arith.constant 84 : i32
    %mul3A_2 = arith.muli %add3A, %mul3A_1 : i32
    %scan3A = arith.constant 0 : i32
    %scan3A_3 = arith.constant 0 : i32
    %scan3A_4 = arith.constant 21 : i32
    %scan3A_5 = arith.addi %scan3A_3, %scan3A_4 : i32
    %scan3A_6 = arith.constant 1 : i32
    scf.for %scan3A_15 = %scan3A_3 to %scan3A_5 step %scan3A_6  : i32 {
      %gt3A = arith.constant 0 : i32
      %gt3A_16 = arith.cmpi sgt, %scan3A_15, %gt3A : i32
      %convert_element_type3A = arith.extui %gt3A_16 : i1 to i32
      %cond3A = arith.constant 0 : i32
      %cond3A_17 = arith.cmpi ne, %convert_element_type3A, %cond3A : i32
      scf.if %cond3A_17 {
        %sub3A = arith.constant 1 : i32
        %sub3A_130 = arith.subi %scan3A_15, %sub3A : i32
        %mul3A_131 = arith.constant 4 : i32
        %mul3A_132 = arith.muli %sub3A_130, %mul3A_131 : i32
        %add3A_133 = arith.addi %mul3A_2, %mul3A_132 : i32
        %dma_wait3A_134 = arith.constant 0 : i32
        %dma_wait3A_135 = arith.constant 0 : i32
        %dma_wait3A_136 = tpu.memref_slice %arg4[%add3A_133, %dma_wait3A_134, %dma_wait3A_135] : memref<2688x128x128xf32, #tpu.memory_space<hbm>> -> memref<4x128x128xf32, #tpu.memory_space<hbm>>
        %dma_wait3A_137 = arith.constant 0 : i32
        %dma_wait3A_138 = arith.constant 0 : i32
        %dma_wait3A_139 = tpu.memref_slice %arg4[%add3A_133, %dma_wait3A_137, %dma_wait3A_138] : memref<2688x128x128xf32, #tpu.memory_space<hbm>> -> memref<4x128x128xf32, #tpu.memory_space<hbm>>
        tpu.wait_dma2 semaphore(%arg8 : memref<!tpu.dma_semaphore, #tpu.memory_space<semaphore_mem>>) src(%arg6 : memref<4x128x128xf32, #tpu.memory_space<vmem>>) dst(%dma_wait3A_139 : memref<4x128x128xf32, #tpu.memory_space<hbm>>)
      } else {
      }
      %mul3A_18 = arith.constant 4 : i32
      %mul3A_19 = arith.muli %scan3A_15, %mul3A_18 : i32
      %add3A_20 = arith.constant 0 : i32
      %add3A_21 = arith.addi %mul3A_19, %add3A_20 : i32
      %dma_start3A = arith.constant 0 : i32
      %dma_start3A_22 = arith.constant 0 : i32
      %dma_start3A_23 = arith.constant 0 : i32
      %dma_start3A_24 = tpu.memref_slice %arg6[%dma_start3A, %dma_start3A_22, %dma_start3A_23] : memref<4x128x128xf32, #tpu.memory_space<vmem>> -> memref<1x128x128xf32, #tpu.memory_space<vmem>>
      %dma_start3A_25 = tpu.memref_squeeze %dma_start3A_24 : memref<1x128x128xf32, #tpu.memory_space<vmem>> -> memref<128x128xf32, #tpu.memory_space<vmem>>
      %dma_start3A_26 = arith.constant 0 : i32
      %dma_start3A_27 = tpu.memref_slice %arg5[%add3A_21, %dma_start3A_26] : memref<84x128xi32, #tpu.memory_space<vmem>> -> memref<1x128xi32, #tpu.memory_space<vmem>>
      %dma_start3A_28 = tpu.memref_squeeze %dma_start3A_27 : memref<1x128xi32, #tpu.memory_space<vmem>> -> memref<128xi32, #tpu.memory_space<vmem>>
      %dma_start3A_29 = arith.constant 0 : i32
      %dma_start3A_30 = arith.constant 0 : i32
      %dma_start3A_31 = tpu.memref_slice %arg2[%dma_start3A_29, %dma_start3A_30] : memref<10000x128xf32, #tpu.memory_space<hbm>> -> memref<10000x128xf32, #tpu.memory_space<hbm>>
      tpu.enqueue_indirect_dma source(%dma_start3A_31 : memref<10000x128xf32, #tpu.memory_space<hbm>>) target(%dma_start3A_25 : memref<128x128xf32, #tpu.memory_space<vmem>>) offsets(%dma_start3A_28 : memref<128xi32, #tpu.memory_space<vmem>>) semaphore(%arg7 : memref<!tpu.dma_semaphore, #tpu.memory_space<semaphore_mem>>)
      %mul3A_32 = arith.constant 4 : i32
      %mul3A_33 = arith.muli %scan3A_15, %mul3A_32 : i32
      %add3A_34 = arith.constant 1 : i32
      %add3A_35 = arith.addi %mul3A_33, %add3A_34 : i32
      %dma_start3A_36 = arith.constant 1 : i32
      %dma_start3A_37 = arith.constant 0 : i32
      %dma_start3A_38 = arith.constant 0 : i32
      %dma_start3A_39 = tpu.memref_slice %arg6[%dma_start3A_36, %dma_start3A_37, %dma_start3A_38] : memref<4x128x128xf32, #tpu.memory_space<vmem>> -> memref<1x128x128xf32, #tpu.memory_space<vmem>>
      %dma_start3A_40 = tpu.memref_squeeze %dma_start3A_39 : memref<1x128x128xf32, #tpu.memory_space<vmem>> -> memref<128x128xf32, #tpu.memory_space<vmem>>
      %dma_start3A_41 = arith.constant 0 : i32
      %dma_start3A_42 = tpu.memref_slice %arg5[%add3A_35, %dma_start3A_41] : memref<84x128xi32, #tpu.memory_space<vmem>> -> memref<1x128xi32, #tpu.memory_space<vmem>>
      %dma_start3A_43 = tpu.memref_squeeze %dma_start3A_42 : memref<1x128xi32, #tpu.memory_space<vmem>> -> memref<128xi32, #tpu.memory_space<vmem>>
      %dma_start3A_44 = arith.constant 0 : i32
      %dma_start3A_45 = arith.constant 0 : i32
      %dma_start3A_46 = tpu.memref_slice %arg2[%dma_start3A_44, %dma_start3A_45] : memref<10000x128xf32, #tpu.memory_space<hbm>> -> memref<10000x128xf32, #tpu.memory_space<hbm>>
      tpu.enqueue_indirect_dma source(%dma_start3A_46 : memref<10000x128xf32, #tpu.memory_space<hbm>>) target(%dma_start3A_40 : memref<128x128xf32, #tpu.memory_space<vmem>>) offsets(%dma_start3A_43 : memref<128xi32, #tpu.memory_space<vmem>>) semaphore(%arg7 : memref<!tpu.dma_semaphore, #tpu.memory_space<semaphore_mem>>)
      %mul3A_47 = arith.constant 4 : i32
      %mul3A_48 = arith.muli %scan3A_15, %mul3A_47 : i32
      %add3A_49 = arith.constant 2 : i32
      %add3A_50 = arith.addi %mul3A_48, %add3A_49 : i32
      %dma_start3A_51 = arith.constant 2 : i32
      %dma_start3A_52 = arith.constant 0 : i32
      %dma_start3A_53 = arith.constant 0 : i32
      %dma_start3A_54 = tpu.memref_slice %arg6[%dma_start3A_51, %dma_start3A_52, %dma_start3A_53] : memref<4x128x128xf32, #tpu.memory_space<vmem>> -> memref<1x128x128xf32, #tpu.memory_space<vmem>>
      %dma_start3A_55 = tpu.memref_squeeze %dma_start3A_54 : memref<1x128x128xf32, #tpu.memory_space<vmem>> -> memref<128x128xf32, #tpu.memory_space<vmem>>
      %dma_start3A_56 = arith.constant 0 : i32
      %dma_start3A_57 = tpu.memref_slice %arg5[%add3A_50, %dma_start3A_56] : memref<84x128xi32, #tpu.memory_space<vmem>> -> memref<1x128xi32, #tpu.memory_space<vmem>>
      %dma_start3A_58 = tpu.memref_squeeze %dma_start3A_57 : memref<1x128xi32, #tpu.memory_space<vmem>> -> memref<128xi32, #tpu.memory_space<vmem>>
      %dma_start3A_59 = arith.constant 0 : i32
      %dma_start3A_60 = arith.constant 0 : i32
      %dma_start3A_61 = tpu.memref_slice %arg2[%dma_start3A_59, %dma_start3A_60] : memref<10000x128xf32, #tpu.memory_space<hbm>> -> memref<10000x128xf32, #tpu.memory_space<hbm>>
      tpu.enqueue_indirect_dma source(%dma_start3A_61 : memref<10000x128xf32, #tpu.memory_space<hbm>>) target(%dma_start3A_55 : memref<128x128xf32, #tpu.memory_space<vmem>>) offsets(%dma_start3A_58 : memref<128xi32, #tpu.memory_space<vmem>>) semaphore(%arg7 : memref<!tpu.dma_semaphore, #tpu.memory_space<semaphore_mem>>)
      %mul3A_62 = arith.constant 4 : i32
      %mul3A_63 = arith.muli %scan3A_15, %mul3A_62 : i32
      %add3A_64 = arith.constant 3 : i32
      %add3A_65 = arith.addi %mul3A_63, %add3A_64 : i32
      %dma_start3A_66 = arith.constant 3 : i32
      %dma_start3A_67 = arith.constant 0 : i32
      %dma_start3A_68 = arith.constant 0 : i32
      %dma_start3A_69 = tpu.memref_slice %arg6[%dma_start3A_66, %dma_start3A_67, %dma_start3A_68] : memref<4x128x128xf32, #tpu.memory_space<vmem>> -> memref<1x128x128xf32, #tpu.memory_space<vmem>>
      %dma_start3A_70 = tpu.memref_squeeze %dma_start3A_69 : memref<1x128x128xf32, #tpu.memory_space<vmem>> -> memref<128x128xf32, #tpu.memory_space<vmem>>
      %dma_start3A_71 = arith.constant 0 : i32
      %dma_start3A_72 = tpu.memref_slice %arg5[%add3A_65, %dma_start3A_71] : memref<84x128xi32, #tpu.memory_space<vmem>> -> memref<1x128xi32, #tpu.memory_space<vmem>>
      %dma_start3A_73 = tpu.memref_squeeze %dma_start3A_72 : memref<1x128xi32, #tpu.memory_space<vmem>> -> memref<128xi32, #tpu.memory_space<vmem>>
      %dma_start3A_74 = arith.constant 0 : i32
      %dma_start3A_75 = arith.constant 0 : i32
      %dma_start3A_76 = tpu.memref_slice %arg2[%dma_start3A_74, %dma_start3A_75] : memref<10000x128xf32, #tpu.memory_space<hbm>> -> memref<10000x128xf32, #tpu.memory_space<hbm>>
      tpu.enqueue_indirect_dma source(%dma_start3A_76 : memref<10000x128xf32, #tpu.memory_space<hbm>>) target(%dma_start3A_70 : memref<128x128xf32, #tpu.memory_space<vmem>>) offsets(%dma_start3A_73 : memref<128xi32, #tpu.memory_space<vmem>>) semaphore(%arg7 : memref<!tpu.dma_semaphore, #tpu.memory_space<semaphore_mem>>)
      %dma_wait3A_77 = arith.constant 0 : i32
      %dma_wait3A_78 = arith.constant 0 : i32
      %dma_wait3A_79 = arith.constant 0 : i32
      %dma_wait3A_80 = tpu.memref_slice %arg6[%dma_wait3A_77, %dma_wait3A_78, %dma_wait3A_79] : memref<4x128x128xf32, #tpu.memory_space<vmem>> -> memref<1x128x128xf32, #tpu.memory_space<vmem>>
      %dma_wait3A_81 = tpu.memref_squeeze %dma_wait3A_80 : memref<1x128x128xf32, #tpu.memory_space<vmem>> -> memref<128x128xf32, #tpu.memory_space<vmem>>
      %dma_wait3A_82 = arith.constant 0 : i32
      %dma_wait3A_83 = tpu.memref_slice %arg5[%add3A_21, %dma_wait3A_82] : memref<84x128xi32, #tpu.memory_space<vmem>> -> memref<1x128xi32, #tpu.memory_space<vmem>>
      %dma_wait3A_84 = tpu.memref_squeeze %dma_wait3A_83 : memref<1x128xi32, #tpu.memory_space<vmem>> -> memref<128xi32, #tpu.memory_space<vmem>>
      %dma_wait3A_85 = arith.constant 0 : i32
      %dma_wait3A_86 = arith.constant 0 : i32
      %dma_wait3A_87 = tpu.memref_slice %arg2[%dma_wait3A_85, %dma_wait3A_86] : memref<10000x128xf32, #tpu.memory_space<hbm>> -> memref<10000x128xf32, #tpu.memory_space<hbm>>
      tpu.wait_indirect_dma semaphore(%arg7 : memref<!tpu.dma_semaphore, #tpu.memory_space<semaphore_mem>>) src(%dma_wait3A_87 : memref<10000x128xf32, #tpu.memory_space<hbm>>) dst(%dma_wait3A_81 : memref<128x128xf32, #tpu.memory_space<vmem>>)
      %dma_wait3A_88 = arith.constant 1 : i32
      %dma_wait3A_89 = arith.constant 0 : i32
      %dma_wait3A_90 = arith.constant 0 : i32
      %dma_wait3A_91 = tpu.memref_slice %arg6[%dma_wait3A_88, %dma_wait3A_89, %dma_wait3A_90] : memref<4x128x128xf32, #tpu.memory_space<vmem>> -> memref<1x128x128xf32, #tpu.memory_space<vmem>>
      %dma_wait3A_92 = tpu.memref_squeeze %dma_wait3A_91 : memref<1x128x128xf32, #tpu.memory_space<vmem>> -> memref<128x128xf32, #tpu.memory_space<vmem>>
      %dma_wait3A_93 = arith.constant 0 : i32
      %dma_wait3A_94 = tpu.memref_slice %arg5[%add3A_35, %dma_wait3A_93] : memref<84x128xi32, #tpu.memory_space<vmem>> -> memref<1x128xi32, #tpu.memory_space<vmem>>
      %dma_wait3A_95 = tpu.memref_squeeze %dma_wait3A_94 : memref<1x128xi32, #tpu.memory_space<vmem>> -> memref<128xi32, #tpu.memory_space<vmem>>
      %dma_wait3A_96 = arith.constant 0 : i32
      %dma_wait3A_97 = arith.constant 0 : i32
      %dma_wait3A_98 = tpu.memref_slice %arg2[%dma_wait3A_96, %dma_wait3A_97] : memref<10000x128xf32, #tpu.memory_space<hbm>> -> memref<10000x128xf32, #tpu.memory_space<hbm>>
      tpu.wait_indirect_dma semaphore(%arg7 : memref<!tpu.dma_semaphore, #tpu.memory_space<semaphore_mem>>) src(%dma_wait3A_98 : memref<10000x128xf32, #tpu.memory_space<hbm>>) dst(%dma_wait3A_92 : memref<128x128xf32, #tpu.memory_space<vmem>>)
      %dma_wait3A_99 = arith.constant 2 : i32
      %dma_wait3A_100 = arith.constant 0 : i32
      %dma_wait3A_101 = arith.constant 0 : i32
      %dma_wait3A_102 = tpu.memref_slice %arg6[%dma_wait3A_99, %dma_wait3A_100, %dma_wait3A_101] : memref<4x128x128xf32, #tpu.memory_space<vmem>> -> memref<1x128x128xf32, #tpu.memory_space<vmem>>
      %dma_wait3A_103 = tpu.memref_squeeze %dma_wait3A_102 : memref<1x128x128xf32, #tpu.memory_space<vmem>> -> memref<128x128xf32, #tpu.memory_space<vmem>>
      %dma_wait3A_104 = arith.constant 0 : i32
      %dma_wait3A_105 = tpu.memref_slice %arg5[%add3A_50, %dma_wait3A_104] : memref<84x128xi32, #tpu.memory_space<vmem>> -> memref<1x128xi32, #tpu.memory_space<vmem>>
      %dma_wait3A_106 = tpu.memref_squeeze %dma_wait3A_105 : memref<1x128xi32, #tpu.memory_space<vmem>> -> memref<128xi32, #tpu.memory_space<vmem>>
      %dma_wait3A_107 = arith.constant 0 : i32
      %dma_wait3A_108 = arith.constant 0 : i32
      %dma_wait3A_109 = tpu.memref_slice %arg2[%dma_wait3A_107, %dma_wait3A_108] : memref<10000x128xf32, #tpu.memory_space<hbm>> -> memref<10000x128xf32, #tpu.memory_space<hbm>>
      tpu.wait_indirect_dma semaphore(%arg7 : memref<!tpu.dma_semaphore, #tpu.memory_space<semaphore_mem>>) src(%dma_wait3A_109 : memref<10000x128xf32, #tpu.memory_space<hbm>>) dst(%dma_wait3A_103 : memref<128x128xf32, #tpu.memory_space<vmem>>)
      %dma_wait3A_110 = arith.constant 3 : i32
      %dma_wait3A_111 = arith.constant 0 : i32
      %dma_wait3A_112 = arith.constant 0 : i32
      %dma_wait3A_113 = tpu.memref_slice %arg6[%dma_wait3A_110, %dma_wait3A_111, %dma_wait3A_112] : memref<4x128x128xf32, #tpu.memory_space<vmem>> -> memref<1x128x128xf32, #tpu.memory_space<vmem>>
      %dma_wait3A_114 = tpu.memref_squeeze %dma_wait3A_113 : memref<1x128x128xf32, #tpu.memory_space<vmem>> -> memref<128x128xf32, #tpu.memory_space<vmem>>
      %dma_wait3A_115 = arith.constant 0 : i32
      %dma_wait3A_116 = tpu.memref_slice %arg5[%add3A_65, %dma_wait3A_115] : memref<84x128xi32, #tpu.memory_space<vmem>> -> memref<1x128xi32, #tpu.memory_space<vmem>>
      %dma_wait3A_117 = tpu.memref_squeeze %dma_wait3A_116 : memref<1x128xi32, #tpu.memory_space<vmem>> -> memref<128xi32, #tpu.memory_space<vmem>>
      %dma_wait3A_118 = arith.constant 0 : i32
      %dma_wait3A_119 = arith.constant 0 : i32
      %dma_wait3A_120 = tpu.memref_slice %arg2[%dma_wait3A_118, %dma_wait3A_119] : memref<10000x128xf32, #tpu.memory_space<hbm>> -> memref<10000x128xf32, #tpu.memory_space<hbm>>
      tpu.wait_indirect_dma semaphore(%arg7 : memref<!tpu.dma_semaphore, #tpu.memory_space<semaphore_mem>>) src(%dma_wait3A_120 : memref<10000x128xf32, #tpu.memory_space<hbm>>) dst(%dma_wait3A_114 : memref<128x128xf32, #tpu.memory_space<vmem>>)
      %mul3A_121 = arith.constant 4 : i32
      %mul3A_122 = arith.muli %scan3A_15, %mul3A_121 : i32
      %add3A_123 = arith.addi %mul3A_2, %mul3A_122 : i32
      %dma_start3A_124 = arith.constant 0 : i32
      %dma_start3A_125 = arith.constant 0 : i32
      %dma_start3A_126 = tpu.memref_slice %arg4[%add3A_123, %dma_start3A_124, %dma_start3A_125] : memref<2688x128x128xf32, #tpu.memory_space<hbm>> -> memref<4x128x128xf32, #tpu.memory_space<hbm>>
      %dma_start3A_127 = arith.constant 0 : i32
      %dma_start3A_128 = arith.constant 0 : i32
      %dma_start3A_129 = tpu.memref_slice %arg4[%add3A_123, %dma_start3A_127, %dma_start3A_128] : memref<2688x128x128xf32, #tpu.memory_space<hbm>> -> memref<4x128x128xf32, #tpu.memory_space<hbm>>
      tpu.enqueue_dma source(%arg6 : memref<4x128x128xf32, #tpu.memory_space<vmem>>) target(%dma_start3A_129 : memref<4x128x128xf32, #tpu.memory_space<hbm>>) target_semaphore(%arg8 : memref<!tpu.dma_semaphore, #tpu.memory_space<semaphore_mem>>)
    }
    %scan3A_7 = arith.constant 21 : i32
    %add3A_8 = arith.constant 80 : i32
    %add3A_9 = arith.addi %mul3A_2, %add3A_8 : i32
    %dma_wait3A = arith.constant 0 : i32
    %dma_wait3A_10 = arith.constant 0 : i32
    %dma_wait3A_11 = tpu.memref_slice %arg4[%add3A_9, %dma_wait3A, %dma_wait3A_10] : memref<2688x128x128xf32, #tpu.memory_space<hbm>> -> memref<4x128x128xf32, #tpu.memory_space<hbm>>
    %dma_wait3A_12 = arith.constant 0 : i32
    %dma_wait3A_13 = arith.constant 0 : i32
    %dma_wait3A_14 = tpu.memref_slice %arg4[%add3A_9, %dma_wait3A_12, %dma_wait3A_13] : memref<2688x128x128xf32, #tpu.memory_space<hbm>> -> memref<4x128x128xf32, #tpu.memory_space<hbm>>
    tpu.wait_dma2 semaphore(%arg8 : memref<!tpu.dma_semaphore, #tpu.memory_space<semaphore_mem>>) src(%arg6 : memref<4x128x128xf32, #tpu.memory_space<vmem>>) dst(%dma_wait3A_14 : memref<4x128x128xf32, #tpu.memory_space<hbm>>)
    return
  }
}

module attributes {stable_mosaic.version = 14 : i64} {
  func.func @tc_body(%arg0: i32, %arg1: memref<79xi32, #tpu.memory_space<smem>>, %arg2: memref<79xi32, #tpu.memory_space<smem>>, %arg3: memref<1x1x128xi32, #tpu.memory_space<vmem>>, %arg4: memref<1x1x128xi32, #tpu.memory_space<vmem>>, %arg5: memref<128x128xf32, #tpu.memory_space<vmem>>, %arg6: memref<128x512xf32, #tpu.memory_space<vmem>>, %arg7: memref<128x512xf32, #tpu.memory_space<vmem>>, %arg8: memref<1x512xf32, #tpu.memory_space<vmem>>, %arg9: memref<512x128xf32, #tpu.memory_space<vmem>>, %arg10: memref<1x128xf32, #tpu.memory_space<vmem>>, %arg11: memref<344064x128xf32, #tpu.memory_space<hbm>>, %arg12: memref<128x128xf32, #tpu.memory_space<vmem>>, %arg13: memref<2x1024x128xf32, #tpu.memory_space<vmem>>, %arg14: memref<128x512xf32, #tpu.memory_space<vmem>>, %arg15: memref<2x!tpu.dma_semaphore, #tpu.memory_space<semaphore_mem>>) attributes {dimension_semantics = [#tpu.dimension_semantics<arbitrary>], iteration_bounds = array<i64: 79>, scalar_prefetch = 2 : i64, scratch_operands = 3 : i64, tpu.core_type = #tpu.core_type<tc>, window_params = [{transform_indices = @transform_0, window_bounds = array<i64: 1, 1, 128>}, {transform_indices = @transform_1, window_bounds = array<i64: 1, 1, 128>}, {transform_indices = @transform_2, window_bounds = array<i64: 128, 128>}, {pipeline_mode = #tpu.pipeline_mode<synchronous>, transform_indices = @transform_3, window_bounds = array<i64: 128, 512>}, {pipeline_mode = #tpu.pipeline_mode<synchronous>, transform_indices = @transform_4, window_bounds = array<i64: 128, 512>}, {pipeline_mode = #tpu.pipeline_mode<synchronous>, transform_indices = @transform_5, window_bounds = array<i64: 1, 512>}, {pipeline_mode = #tpu.pipeline_mode<synchronous>, transform_indices = @transform_6, window_bounds = array<i64: 512, 128>}, {pipeline_mode = #tpu.pipeline_mode<synchronous>, transform_indices = @transform_7, window_bounds = array<i64: 1, 128>}, {}, {transform_indices = @transform_9, window_bounds = array<i64: 128, 128>}]} {
    %get3A = arith.index_cast %arg0 : i32 to index
    %get3A_0 = memref.load %arg1[%get3A] : memref<79xi32, #tpu.memory_space<smem>>
    %get3A_1 = arith.index_cast %arg0 : i32 to index
    %get3A_2 = memref.load %arg2[%get3A_1] : memref<79xi32, #tpu.memory_space<smem>>
    %get3A_3 = arith.constant 0 : index
    %get3A_4 = arith.constant 0 : index
    %get3A_5 = arith.constant 0 : index
    %get3A_6 = vector.load %arg3[%get3A_3, %get3A_4, %get3A_5] : memref<1x1x128xi32, #tpu.memory_space<vmem>>, vector<1x1x128xi32>
    %get3A_7 = vector.shape_cast %get3A_6 : vector<1x1x128xi32> to vector<1x128xi32>
    %get3A_8 = arith.constant 0 : index
    %get3A_9 = arith.constant 0 : index
    %get3A_10 = arith.constant 0 : index
    %get3A_11 = vector.load %arg4[%get3A_8, %get3A_9, %get3A_10] : memref<1x1x128xi32, #tpu.memory_space<vmem>>, vector<1x1x128xi32>
    %get3A_12 = vector.shape_cast %get3A_11 : vector<1x1x128xi32> to vector<1x128xi32>
    %gt3A = arith.constant 0 : i32
    %gt3A_13 = arith.cmpi sgt, %get3A_2, %gt3A : i32
    %convert_element_type3A = arith.extui %gt3A_13 : i1 to i32
    %cond3A = arith.constant 0 : i32
    %cond3A_14 = arith.cmpi ne, %convert_element_type3A, %cond3A : i32
    scf.if %cond3A_14 {
      %rem3A = arith.constant 0 : i32
      %rem3A_19 = arith.constant 2 : i32
      %rem3A_20 = arith.remsi %rem3A, %rem3A_19 : i32
      %add3A = arith.constant 0 : i32
      %add3A_21 = arith.addi %get3A_0, %add3A : i32
      %sub3A = arith.constant 0 : i32
      %sub3A_22 = arith.subi %add3A_21, %sub3A : i32
      %multiple_of3A = tpu.assume_multiple %sub3A_22, 16 : i32
      %dma_start3A = tpu.memref_slice %arg15[%rem3A_20] : memref<2x!tpu.dma_semaphore, #tpu.memory_space<semaphore_mem>> -> memref<1x!tpu.dma_semaphore, #tpu.memory_space<semaphore_mem>>
      %dma_start3A_23 = tpu.memref_squeeze %dma_start3A : memref<1x!tpu.dma_semaphore, #tpu.memory_space<semaphore_mem>> -> memref<!tpu.dma_semaphore, #tpu.memory_space<semaphore_mem>>
      %dma_start3A_24 = arith.constant 0 : i32
      %dma_start3A_25 = arith.constant 0 : i32
      %dma_start3A_26 = tpu.memref_slice %arg13[%rem3A_20, %dma_start3A_24, %dma_start3A_25] : memref<2x1024x128xf32, #tpu.memory_space<vmem>> -> memref<1x1024x128xf32, #tpu.memory_space<vmem>>
      %dma_start3A_27 = tpu.memref_squeeze %dma_start3A_26 : memref<1x1024x128xf32, #tpu.memory_space<vmem>> -> memref<1024x128xf32, #tpu.memory_space<vmem>>
      %dma_start3A_28 = arith.constant 0 : i32
      %dma_start3A_29 = tpu.memref_slice %arg11[%multiple_of3A, %dma_start3A_28] : memref<344064x128xf32, #tpu.memory_space<hbm>> -> memref<1024x128xf32, #tpu.memory_space<hbm>>
      tpu.enqueue_dma source(%dma_start3A_29 : memref<1024x128xf32, #tpu.memory_space<hbm>>) target(%dma_start3A_27 : memref<1024x128xf32, #tpu.memory_space<vmem>>) target_semaphore(%dma_start3A_23 : memref<!tpu.dma_semaphore, #tpu.memory_space<semaphore_mem>>)
      %get3A_30 = arith.constant 0 : index
      %get3A_31 = arith.constant 0 : index
      %get3A_32 = vector.load %arg5[%get3A_30, %get3A_31] : memref<128x128xf32, #tpu.memory_space<vmem>>, vector<128x128xf32>
      %convert_element_type3A_33 = arith.truncf %get3A_32 : vector<128x128xf32> to vector<128x128xbf16>
      %get3A_34 = arith.constant 0 : index
      %get3A_35 = arith.constant 0 : index
      %get3A_36 = vector.load %arg7[%get3A_34, %get3A_35] : memref<128x512xf32, #tpu.memory_space<vmem>>, vector<128x512xf32>
      %convert_element_type3A_37 = arith.truncf %get3A_36 : vector<128x512xf32> to vector<128x512xbf16>
      %dot_general3A = arith.constant dense<0.000000e+00> : vector<128x512xf32>
      %dot_general3A_38 = tpu.matmul %convert_element_type3A_33, %convert_element_type3A_37, %dot_general3A {dimension_numbers = #tpu.dot_dimension_numbers<[1], [0], [0], [1], [0, 0, 1, 1], [], []>, transpose_lhs_hint = false} : vector<128x128xbf16>, vector<128x512xbf16>, vector<128x512xf32> -> vector<128x512xf32>
      %get3A_39 = arith.constant 0 : index
      %get3A_40 = arith.constant 0 : index
      %get3A_41 = vector.load %arg8[%get3A_39, %get3A_40] : memref<1x512xf32, #tpu.memory_space<vmem>>, vector<1x512xf32>
      %add3A_42 = vector.broadcast %get3A_41 : vector<1x512xf32> to vector<128x512xf32>
      %add3A_43 = arith.addf %dot_general3A_38, %add3A_42 : vector<128x512xf32>
      %get3A_44 = arith.constant 0 : index
      %get3A_45 = arith.constant 0 : index
      %get3A_46 = vector.load %arg6[%get3A_44, %get3A_45] : memref<128x512xf32, #tpu.memory_space<vmem>>, vector<128x512xf32>
      %concatenate3A = tpu.concatenate %get3A_46, %add3A_43 in 0 : vector<128x512xf32>, vector<128x512xf32> -> vector<256x512xf32>
      %convert_element_type3A_47 = arith.truncf %concatenate3A : vector<256x512xf32> to vector<256x512xbf16>
      %broadcast_in_dim3A = arith.constant 0.000000e+00 : f32
      %broadcast_in_dim3A_48 = vector.broadcast %broadcast_in_dim3A : f32 to vector<128x512xf32>
      %swap3A = arith.constant 0 : index
      %swap3A_49 = arith.constant 0 : index
      %swap3A_50 = vector.load %arg14[%swap3A, %swap3A_49] : memref<128x512xf32, #tpu.memory_space<vmem>>, vector<128x512xf32>
      tpu.vector_store %arg14[%swap3A, %swap3A_49], %broadcast_in_dim3A_48 {strides = array<i32>} : memref<128x512xf32, #tpu.memory_space<vmem>>, vector<128x512xf32>,
      %while3A = arith.constant 0 : i32
      %while3A_51 = arith.constant 0 : i32
      %while3A_52 = arith.subi %get3A_2, %while3A_51 : i32
      %while3A_53 = arith.addi %while3A_51, %while3A_52 : i32
      %while3A_54 = arith.constant 1 : i32
      %while3A_55 = arith.divsi %while3A_52, %while3A_54 : i32
      %while3A_56 = arith.muli %while3A_55, %while3A_54 : i32
      %while3A_57 = arith.addi %while3A_51, %while3A_56 : i32
      %while3A_58 = arith.constant 1 : i32
      scf.for %while3A_81 = %while3A_51 to %while3A_57 step %while3A_58  : i32 {
        %add3A_82 = arith.constant 1 : i32
        %add3A_83 = arith.addi %while3A_81, %add3A_82 : i32
        %lt3A = arith.cmpi slt, %add3A_83, %get3A_2 : i32
        %convert_element_type3A_84 = arith.extui %lt3A : i1 to i32
        %cond3A_85 = arith.constant 0 : i32
        %cond3A_86 = arith.cmpi ne, %convert_element_type3A_84, %cond3A_85 : i32
        scf.if %cond3A_86 {
          %add3A_148 = arith.constant 1 : i32
          %add3A_149 = arith.addi %while3A_81, %add3A_148 : i32
          %rem3A_150 = arith.constant 2 : i32
          %rem3A_151 = arith.remsi %add3A_149, %rem3A_150 : i32
          %mul3A_152 = arith.constant 1024 : i32
          %mul3A_153 = arith.muli %add3A_149, %mul3A_152 : i32
          %add3A_154 = arith.addi %get3A_0, %mul3A_153 : i32
          %sub3A_155 = arith.constant 0 : i32
          %sub3A_156 = arith.subi %add3A_154, %sub3A_155 : i32
          %multiple_of3A_157 = tpu.assume_multiple %sub3A_156, 16 : i32
          %dma_start3A_158 = tpu.memref_slice %arg15[%rem3A_151] : memref<2x!tpu.dma_semaphore, #tpu.memory_space<semaphore_mem>> -> memref<1x!tpu.dma_semaphore, #tpu.memory_space<semaphore_mem>>
          %dma_start3A_159 = tpu.memref_squeeze %dma_start3A_158 : memref<1x!tpu.dma_semaphore, #tpu.memory_space<semaphore_mem>> -> memref<!tpu.dma_semaphore, #tpu.memory_space<semaphore_mem>>
          %dma_start3A_160 = arith.constant 0 : i32
          %dma_start3A_161 = arith.constant 0 : i32
          %dma_start3A_162 = tpu.memref_slice %arg13[%rem3A_151, %dma_start3A_160, %dma_start3A_161] : memref<2x1024x128xf32, #tpu.memory_space<vmem>> -> memref<1x1024x128xf32, #tpu.memory_space<vmem>>
          %dma_start3A_163 = tpu.memref_squeeze %dma_start3A_162 : memref<1x1024x128xf32, #tpu.memory_space<vmem>> -> memref<1024x128xf32, #tpu.memory_space<vmem>>
          %dma_start3A_164 = arith.constant 0 : i32
          %dma_start3A_165 = tpu.memref_slice %arg11[%multiple_of3A_157, %dma_start3A_164] : memref<344064x128xf32, #tpu.memory_space<hbm>> -> memref<1024x128xf32, #tpu.memory_space<hbm>>
          tpu.enqueue_dma source(%dma_start3A_165 : memref<1024x128xf32, #tpu.memory_space<hbm>>) target(%dma_start3A_163 : memref<1024x128xf32, #tpu.memory_space<vmem>>) target_semaphore(%dma_start3A_159 : memref<!tpu.dma_semaphore, #tpu.memory_space<semaphore_mem>>)
        } else {
        }
        %rem3A_87 = arith.constant 2 : i32
        %rem3A_88 = arith.remsi %while3A_81, %rem3A_87 : i32
        %mul3A_89 = arith.constant 1024 : i32
        %mul3A_90 = arith.muli %while3A_81, %mul3A_89 : i32
        %add3A_91 = arith.addi %get3A_0, %mul3A_90 : i32
        %sub3A_92 = arith.constant 0 : i32
        %sub3A_93 = arith.subi %add3A_91, %sub3A_92 : i32
        %multiple_of3A_94 = tpu.assume_multiple %sub3A_93, 16 : i32
        %dma_wait3A = tpu.memref_slice %arg15[%rem3A_88] : memref<2x!tpu.dma_semaphore, #tpu.memory_space<semaphore_mem>> -> memref<1x!tpu.dma_semaphore, #tpu.memory_space<semaphore_mem>>
        %dma_wait3A_95 = tpu.memref_squeeze %dma_wait3A : memref<1x!tpu.dma_semaphore, #tpu.memory_space<semaphore_mem>> -> memref<!tpu.dma_semaphore, #tpu.memory_space<semaphore_mem>>
        %dma_wait3A_96 = arith.constant 0 : i32
        %dma_wait3A_97 = arith.constant 0 : i32
        %dma_wait3A_98 = tpu.memref_slice %arg13[%rem3A_88, %dma_wait3A_96, %dma_wait3A_97] : memref<2x1024x128xf32, #tpu.memory_space<vmem>> -> memref<1x1024x128xf32, #tpu.memory_space<vmem>>
        %dma_wait3A_99 = tpu.memref_squeeze %dma_wait3A_98 : memref<1x1024x128xf32, #tpu.memory_space<vmem>> -> memref<1024x128xf32, #tpu.memory_space<vmem>>
        %dma_wait3A_100 = arith.constant 0 : i32
        %dma_wait3A_101 = tpu.memref_slice %arg11[%multiple_of3A_94, %dma_wait3A_100] : memref<344064x128xf32, #tpu.memory_space<hbm>> -> memref<1024x128xf32, #tpu.memory_space<hbm>>
        tpu.wait_dma2 semaphore(%dma_wait3A_95 : memref<!tpu.dma_semaphore, #tpu.memory_space<semaphore_mem>>) src(%dma_wait3A_101 : memref<1024x128xf32, #tpu.memory_space<hbm>>) dst(%dma_wait3A_99 : memref<1024x128xf32, #tpu.memory_space<vmem>>)
        %mul3A_102 = arith.constant 1024 : i32
        %mul3A_103 = arith.muli %while3A_81, %mul3A_102 : i32
        %add3A_104 = arith.addi %get3A_0, %mul3A_103 : i32
        %iota3A = tpu.iota {dimensions = array<i32: 0>} : vector<1024x128xi32>
        %add3A_105 = vector.broadcast %add3A_104 : i32 to vector<1024x128xi32>
        %add3A_106 = arith.addi %add3A_105, %iota3A : vector<1024x128xi32>
        %max3A = arith.constant 0 : i32
        %max3A_107 = vector.broadcast %max3A : i32 to vector<1x128xi32>
        %max3A_108 = arith.maxsi %get3A_7, %max3A_107 : vector<1x128xi32>
        %ge3A = vector.broadcast %max3A_108 : vector<1x128xi32> to vector<1024x128xi32>
        %ge3A_109 = arith.cmpi sge, %add3A_106, %ge3A : vector<1024x128xi32>
        %min3A = arith.constant 327680 : i32
        %min3A_110 = vector.broadcast %min3A : i32 to vector<1x128xi32>
        %min3A_111 = arith.minsi %get3A_12, %min3A_110 : vector<1x128xi32>
        %lt3A_112 = vector.broadcast %min3A_111 : vector<1x128xi32> to vector<1024x128xi32>
        %lt3A_113 = arith.cmpi slt, %add3A_106, %lt3A_112 : vector<1024x128xi32>
        %and3A = arith.andi %ge3A_109, %lt3A_113 : vector<1024x128xi1>
        %convert_element_type3A_114 = arith.extui %and3A : vector<1024x128xi1> to vector<1024x128xi32>
        %convert_element_type3A_115 = arith.sitofp %convert_element_type3A_114 : vector<1024x128xi32> to vector<1024x128xf32>
        %convert_element_type3A_116 = arith.truncf %convert_element_type3A_115 : vector<1024x128xf32> to vector<1024x128xbf16>
        %rem3A_117 = arith.constant 2 : i32
        %rem3A_118 = arith.remsi %while3A_81, %rem3A_117 : i32
        %get3A_119 = arith.index_cast %rem3A_118 : i32 to index
        %get3A_120 = arith.constant 0 : index
        %get3A_121 = arith.constant 0 : index
        %get3A_122 = vector.load %arg13[%get3A_119, %get3A_120, %get3A_121] : memref<2x1024x128xf32, #tpu.memory_space<vmem>>, vector<1x1024x128xf32>
        %get3A_123 = vector.shape_cast %get3A_122 : vector<1x1024x128xf32> to vector<1024x128xf32>
        %convert_element_type3A_124 = arith.truncf %get3A_123 : vector<1024x128xf32> to vector<1024x128xbf16>
        %concatenate3A_125 = tpu.concatenate %convert_element_type3A_124, %convert_element_type3A_116 in 1 : vector<1024x128xbf16>, vector<1024x128xbf16> -> vector<1024x256xbf16>
        %dot_general3A_126 = arith.constant dense<0.000000e+00> : vector<1024x512xf32>
        %dot_general3A_127 = tpu.matmul %concatenate3A_125, %convert_element_type3A_47, %dot_general3A_126 {dimension_numbers = #tpu.dot_dimension_numbers<[1], [0], [0], [1], [0, 0, 1, 1], [], []>, transpose_lhs_hint = false} : vector<1024x256xbf16>, vector<256x512xbf16>, vector<1024x512xf32> -> vector<1024x512xf32>
        %mul3A_128 = arith.constant 5.000000e-01 : f32
        %mul3A_129 = vector.broadcast %mul3A_128 : f32 to vector<1024x512xf32>
        %mul3A_130 = arith.mulf %mul3A_129, %dot_general3A_127 : vector<1024x512xf32>
        %mul3A_131 = arith.constant 0.707106769 : f32
        %mul3A_132 = vector.broadcast %mul3A_131 : f32 to vector<1024x512xf32>
        %mul3A_133 = arith.mulf %dot_general3A_127, %mul3A_132 : vector<1024x512xf32>
        %erf3A = math.erf %mul3A_133 : vector<1024x512xf32>
        %add3A_134 = arith.constant 1.000000e+00 : f32
        %add3A_135 = vector.broadcast %add3A_134 : f32 to vector<1024x512xf32>
        %add3A_136 = arith.addf %add3A_135, %erf3A : vector<1024x512xf32>
        %mul3A_137 = arith.mulf %mul3A_130, %add3A_136 : vector<1024x512xf32>
        %get3A_138 = arith.constant 0 : index
        %get3A_139 = arith.constant 0 : index
        %get3A_140 = vector.load %arg14[%get3A_138, %get3A_139] : memref<128x512xf32, #tpu.memory_space<vmem>>, vector<128x512xf32>
        %convert_element_type3A_141 = arith.truncf %mul3A_137 : vector<1024x512xf32> to vector<1024x512xbf16>
        %dot_general3A_142 = arith.constant dense<0.000000e+00> : vector<128x512xf32>
        %dot_general3A_143 = tpu.matmul %convert_element_type3A_116, %convert_element_type3A_141, %dot_general3A_142 {dimension_numbers = #tpu.dot_dimension_numbers<[0], [0], [1], [1], [0, 1, 1, 1], [], []>, transpose_lhs_hint = false} : vector<1024x128xbf16>, vector<1024x512xbf16>, vector<128x512xf32> -> vector<128x512xf32>
        %add3A_144 = arith.addf %get3A_140, %dot_general3A_143 : vector<128x512xf32>
        %swap3A_145 = arith.constant 0 : index
        %swap3A_146 = arith.constant 0 : index
        %swap3A_147 = vector.load %arg14[%swap3A_145, %swap3A_146] : memref<128x512xf32, #tpu.memory_space<vmem>>, vector<128x512xf32>
        tpu.vector_store %arg14[%swap3A_145, %swap3A_146], %add3A_144 {strides = array<i32>} : memref<128x512xf32, #tpu.memory_space<vmem>>, vector<128x512xf32>,
      }
      %while3A_59 = arith.constant 1 : i32
      scf.for %while3A_81 = %while3A_57 to %while3A_53 step %while3A_59  : i32 {
        %add3A_82 = arith.constant 1 : i32
        %add3A_83 = arith.addi %while3A_81, %add3A_82 : i32
        %lt3A = arith.cmpi slt, %add3A_83, %get3A_2 : i32
        %convert_element_type3A_84 = arith.extui %lt3A : i1 to i32
        %cond3A_85 = arith.constant 0 : i32
        %cond3A_86 = arith.cmpi ne, %convert_element_type3A_84, %cond3A_85 : i32
        scf.if %cond3A_86 {
          %add3A_148 = arith.constant 1 : i32
          %add3A_149 = arith.addi %while3A_81, %add3A_148 : i32
          %rem3A_150 = arith.constant 2 : i32
          %rem3A_151 = arith.remsi %add3A_149, %rem3A_150 : i32
          %mul3A_152 = arith.constant 1024 : i32
          %mul3A_153 = arith.muli %add3A_149, %mul3A_152 : i32
          %add3A_154 = arith.addi %get3A_0, %mul3A_153 : i32
          %sub3A_155 = arith.constant 0 : i32
          %sub3A_156 = arith.subi %add3A_154, %sub3A_155 : i32
          %multiple_of3A_157 = tpu.assume_multiple %sub3A_156, 16 : i32
          %dma_start3A_158 = tpu.memref_slice %arg15[%rem3A_151] : memref<2x!tpu.dma_semaphore, #tpu.memory_space<semaphore_mem>> -> memref<1x!tpu.dma_semaphore, #tpu.memory_space<semaphore_mem>>
          %dma_start3A_159 = tpu.memref_squeeze %dma_start3A_158 : memref<1x!tpu.dma_semaphore, #tpu.memory_space<semaphore_mem>> -> memref<!tpu.dma_semaphore, #tpu.memory_space<semaphore_mem>>
          %dma_start3A_160 = arith.constant 0 : i32
          %dma_start3A_161 = arith.constant 0 : i32
          %dma_start3A_162 = tpu.memref_slice %arg13[%rem3A_151, %dma_start3A_160, %dma_start3A_161] : memref<2x1024x128xf32, #tpu.memory_space<vmem>> -> memref<1x1024x128xf32, #tpu.memory_space<vmem>>
          %dma_start3A_163 = tpu.memref_squeeze %dma_start3A_162 : memref<1x1024x128xf32, #tpu.memory_space<vmem>> -> memref<1024x128xf32, #tpu.memory_space<vmem>>
          %dma_start3A_164 = arith.constant 0 : i32
          %dma_start3A_165 = tpu.memref_slice %arg11[%multiple_of3A_157, %dma_start3A_164] : memref<344064x128xf32, #tpu.memory_space<hbm>> -> memref<1024x128xf32, #tpu.memory_space<hbm>>
          tpu.enqueue_dma source(%dma_start3A_165 : memref<1024x128xf32, #tpu.memory_space<hbm>>) target(%dma_start3A_163 : memref<1024x128xf32, #tpu.memory_space<vmem>>) target_semaphore(%dma_start3A_159 : memref<!tpu.dma_semaphore, #tpu.memory_space<semaphore_mem>>)
        } else {
        }
        %rem3A_87 = arith.constant 2 : i32
        %rem3A_88 = arith.remsi %while3A_81, %rem3A_87 : i32
        %mul3A_89 = arith.constant 1024 : i32
        %mul3A_90 = arith.muli %while3A_81, %mul3A_89 : i32
        %add3A_91 = arith.addi %get3A_0, %mul3A_90 : i32
        %sub3A_92 = arith.constant 0 : i32
        %sub3A_93 = arith.subi %add3A_91, %sub3A_92 : i32
        %multiple_of3A_94 = tpu.assume_multiple %sub3A_93, 16 : i32
        %dma_wait3A = tpu.memref_slice %arg15[%rem3A_88] : memref<2x!tpu.dma_semaphore, #tpu.memory_space<semaphore_mem>> -> memref<1x!tpu.dma_semaphore, #tpu.memory_space<semaphore_mem>>
        %dma_wait3A_95 = tpu.memref_squeeze %dma_wait3A : memref<1x!tpu.dma_semaphore, #tpu.memory_space<semaphore_mem>> -> memref<!tpu.dma_semaphore, #tpu.memory_space<semaphore_mem>>
        %dma_wait3A_96 = arith.constant 0 : i32
        %dma_wait3A_97 = arith.constant 0 : i32
        %dma_wait3A_98 = tpu.memref_slice %arg13[%rem3A_88, %dma_wait3A_96, %dma_wait3A_97] : memref<2x1024x128xf32, #tpu.memory_space<vmem>> -> memref<1x1024x128xf32, #tpu.memory_space<vmem>>
        %dma_wait3A_99 = tpu.memref_squeeze %dma_wait3A_98 : memref<1x1024x128xf32, #tpu.memory_space<vmem>> -> memref<1024x128xf32, #tpu.memory_space<vmem>>
        %dma_wait3A_100 = arith.constant 0 : i32
        %dma_wait3A_101 = tpu.memref_slice %arg11[%multiple_of3A_94, %dma_wait3A_100] : memref<344064x128xf32, #tpu.memory_space<hbm>> -> memref<1024x128xf32, #tpu.memory_space<hbm>>
        tpu.wait_dma2 semaphore(%dma_wait3A_95 : memref<!tpu.dma_semaphore, #tpu.memory_space<semaphore_mem>>) src(%dma_wait3A_101 : memref<1024x128xf32, #tpu.memory_space<hbm>>) dst(%dma_wait3A_99 : memref<1024x128xf32, #tpu.memory_space<vmem>>)
        %mul3A_102 = arith.constant 1024 : i32
        %mul3A_103 = arith.muli %while3A_81, %mul3A_102 : i32
        %add3A_104 = arith.addi %get3A_0, %mul3A_103 : i32
        %iota3A = tpu.iota {dimensions = array<i32: 0>} : vector<1024x128xi32>
        %add3A_105 = vector.broadcast %add3A_104 : i32 to vector<1024x128xi32>
        %add3A_106 = arith.addi %add3A_105, %iota3A : vector<1024x128xi32>
        %max3A = arith.constant 0 : i32
        %max3A_107 = vector.broadcast %max3A : i32 to vector<1x128xi32>
        %max3A_108 = arith.maxsi %get3A_7, %max3A_107 : vector<1x128xi32>
        %ge3A = vector.broadcast %max3A_108 : vector<1x128xi32> to vector<1024x128xi32>
        %ge3A_109 = arith.cmpi sge, %add3A_106, %ge3A : vector<1024x128xi32>
        %min3A = arith.constant 327680 : i32
        %min3A_110 = vector.broadcast %min3A : i32 to vector<1x128xi32>
        %min3A_111 = arith.minsi %get3A_12, %min3A_110 : vector<1x128xi32>
        %lt3A_112 = vector.broadcast %min3A_111 : vector<1x128xi32> to vector<1024x128xi32>
        %lt3A_113 = arith.cmpi slt, %add3A_106, %lt3A_112 : vector<1024x128xi32>
        %and3A = arith.andi %ge3A_109, %lt3A_113 : vector<1024x128xi1>
        %convert_element_type3A_114 = arith.extui %and3A : vector<1024x128xi1> to vector<1024x128xi32>
        %convert_element_type3A_115 = arith.sitofp %convert_element_type3A_114 : vector<1024x128xi32> to vector<1024x128xf32>
        %convert_element_type3A_116 = arith.truncf %convert_element_type3A_115 : vector<1024x128xf32> to vector<1024x128xbf16>
        %rem3A_117 = arith.constant 2 : i32
        %rem3A_118 = arith.remsi %while3A_81, %rem3A_117 : i32
        %get3A_119 = arith.index_cast %rem3A_118 : i32 to index
        %get3A_120 = arith.constant 0 : index
        %get3A_121 = arith.constant 0 : index
        %get3A_122 = vector.load %arg13[%get3A_119, %get3A_120, %get3A_121] : memref<2x1024x128xf32, #tpu.memory_space<vmem>>, vector<1x1024x128xf32>
        %get3A_123 = vector.shape_cast %get3A_122 : vector<1x1024x128xf32> to vector<1024x128xf32>
        %convert_element_type3A_124 = arith.truncf %get3A_123 : vector<1024x128xf32> to vector<1024x128xbf16>
        %concatenate3A_125 = tpu.concatenate %convert_element_type3A_124, %convert_element_type3A_116 in 1 : vector<1024x128xbf16>, vector<1024x128xbf16> -> vector<1024x256xbf16>
        %dot_general3A_126 = arith.constant dense<0.000000e+00> : vector<1024x512xf32>
        %dot_general3A_127 = tpu.matmul %concatenate3A_125, %convert_element_type3A_47, %dot_general3A_126 {dimension_numbers = #tpu.dot_dimension_numbers<[1], [0], [0], [1], [0, 0, 1, 1], [], []>, transpose_lhs_hint = false} : vector<1024x256xbf16>, vector<256x512xbf16>, vector<1024x512xf32> -> vector<1024x512xf32>
        %mul3A_128 = arith.constant 5.000000e-01 : f32
        %mul3A_129 = vector.broadcast %mul3A_128 : f32 to vector<1024x512xf32>
        %mul3A_130 = arith.mulf %mul3A_129, %dot_general3A_127 : vector<1024x512xf32>
        %mul3A_131 = arith.constant 0.707106769 : f32
        %mul3A_132 = vector.broadcast %mul3A_131 : f32 to vector<1024x512xf32>
        %mul3A_133 = arith.mulf %dot_general3A_127, %mul3A_132 : vector<1024x512xf32>
        %erf3A = math.erf %mul3A_133 : vector<1024x512xf32>
        %add3A_134 = arith.constant 1.000000e+00 : f32
        %add3A_135 = vector.broadcast %add3A_134 : f32 to vector<1024x512xf32>
        %add3A_136 = arith.addf %add3A_135, %erf3A : vector<1024x512xf32>
        %mul3A_137 = arith.mulf %mul3A_130, %add3A_136 : vector<1024x512xf32>
        %get3A_138 = arith.constant 0 : index
        %get3A_139 = arith.constant 0 : index
        %get3A_140 = vector.load %arg14[%get3A_138, %get3A_139] : memref<128x512xf32, #tpu.memory_space<vmem>>, vector<128x512xf32>
        %convert_element_type3A_141 = arith.truncf %mul3A_137 : vector<1024x512xf32> to vector<1024x512xbf16>
        %dot_general3A_142 = arith.constant dense<0.000000e+00> : vector<128x512xf32>
        %dot_general3A_143 = tpu.matmul %convert_element_type3A_116, %convert_element_type3A_141, %dot_general3A_142 {dimension_numbers = #tpu.dot_dimension_numbers<[0], [0], [1], [1], [0, 1, 1, 1], [], []>, transpose_lhs_hint = false} : vector<1024x128xbf16>, vector<1024x512xbf16>, vector<128x512xf32> -> vector<128x512xf32>
        %add3A_144 = arith.addf %get3A_140, %dot_general3A_143 : vector<128x512xf32>
        %swap3A_145 = arith.constant 0 : index
        %swap3A_146 = arith.constant 0 : index
        %swap3A_147 = vector.load %arg14[%swap3A_145, %swap3A_146] : memref<128x512xf32, #tpu.memory_space<vmem>>, vector<128x512xf32>
        tpu.vector_store %arg14[%swap3A_145, %swap3A_146], %add3A_144 {strides = array<i32>} : memref<128x512xf32, #tpu.memory_space<vmem>>, vector<128x512xf32>,
      }
      %get3A_60 = arith.constant 0 : index
      %get3A_61 = arith.constant 0 : index
      %get3A_62 = vector.load %arg14[%get3A_60, %get3A_61] : memref<128x512xf32, #tpu.memory_space<vmem>>, vector<128x512xf32>
      %convert_element_type3A_63 = arith.truncf %get3A_62 : vector<128x512xf32> to vector<128x512xbf16>
      %get3A_64 = arith.constant 0 : index
      %get3A_65 = arith.constant 0 : index
      %get3A_66 = vector.load %arg9[%get3A_64, %get3A_65] : memref<512x128xf32, #tpu.memory_space<vmem>>, vector<512x128xf32>
      %convert_element_type3A_67 = arith.truncf %get3A_66 : vector<512x128xf32> to vector<512x128xbf16>
      %dot_general3A_68 = arith.constant dense<0.000000e+00> : vector<128x128xf32>
      %dot_general3A_69 = tpu.matmul %convert_element_type3A_63, %convert_element_type3A_67, %dot_general3A_68 {dimension_numbers = #tpu.dot_dimension_numbers<[1], [0], [0], [1], [0, 0, 1, 1], [], []>, transpose_lhs_hint = false} : vector<128x512xbf16>, vector<512x128xbf16>, vector<128x128xf32> -> vector<128x128xf32>
      %sub3A_70 = arith.subi %get3A_12, %get3A_7 : vector<1x128xi32>
      %convert_element_type3A_71 = arith.sitofp %sub3A_70 : vector<1x128xi32> to vector<1x128xf32>
      %reshape3A = vector.shape_cast %convert_element_type3A_71 : vector<1x128xf32> to vector<128x1xf32>
      %get3A_72 = arith.constant 0 : index
      %get3A_73 = arith.constant 0 : index
      %get3A_74 = vector.load %arg10[%get3A_72, %get3A_73] : memref<1x128xf32, #tpu.memory_space<vmem>>, vector<1x128xf32>
      %mul3A = vector.broadcast %reshape3A : vector<128x1xf32> to vector<128x128xf32>
      %mul3A_75 = vector.broadcast %get3A_74 : vector<1x128xf32> to vector<128x128xf32>
      %mul3A_76 = arith.mulf %mul3A, %mul3A_75 : vector<128x128xf32>
      %add3A_77 = arith.addf %dot_general3A_69, %mul3A_76 : vector<128x128xf32>
      %swap3A_78 = arith.constant 0 : index
      %swap3A_79 = arith.constant 0 : index
      %swap3A_80 = vector.load %arg12[%swap3A_78, %swap3A_79] : memref<128x128xf32, #tpu.memory_space<vmem>>, vector<128x128xf32>
      tpu.vector_store %arg12[%swap3A_78, %swap3A_79], %add3A_77 {strides = array<i32>} : memref<128x128xf32, #tpu.memory_space<vmem>>, vector<128x128xf32>,
    } else {
    }
    %eq3A = arith.constant 0 : i32
    %eq3A_15 = arith.cmpi eq, %get3A_2, %eq3A : i32
    %convert_element_type3A_16 = arith.extui %eq3A_15 : i1 to i32
    %cond3A_17 = arith.constant 0 : i32
    %cond3A_18 = arith.cmpi ne, %convert_element_type3A_16, %cond3A_17 : i32
    scf.if %cond3A_18 {
      %sub3A = arith.subi %get3A_12, %get3A_7 : vector<1x128xi32>
      %convert_element_type3A_19 = arith.sitofp %sub3A : vector<1x128xi32> to vector<1x128xf32>
      %reshape3A = vector.shape_cast %convert_element_type3A_19 : vector<1x128xf32> to vector<128x1xf32>
      %get3A_20 = arith.constant 0 : index
      %get3A_21 = arith.constant 0 : index
      %get3A_22 = vector.load %arg10[%get3A_20, %get3A_21] : memref<1x128xf32, #tpu.memory_space<vmem>>, vector<1x128xf32>
      %mul3A = vector.broadcast %reshape3A : vector<128x1xf32> to vector<128x128xf32>
      %mul3A_23 = vector.broadcast %get3A_22 : vector<1x128xf32> to vector<128x128xf32>
      %mul3A_24 = arith.mulf %mul3A, %mul3A_23 : vector<128x128xf32>
      %swap3A = arith.constant 0 : index
      %swap3A_25 = arith.constant 0 : index
      %swap3A_26 = vector.load %arg12[%swap3A, %swap3A_25] : memref<128x128xf32, #tpu.memory_space<vmem>>, vector<128x128xf32>
      tpu.vector_store %arg12[%swap3A, %swap3A_25], %mul3A_24 {strides = array<i32>} : memref<128x128xf32, #tpu.memory_space<vmem>>, vector<128x128xf32>,
    } else {
    }
    return
  }
  func.func @transform_0(%arg0: i32, %arg1: memref<79xi32, #tpu.memory_space<smem>>, %arg2: memref<79xi32, #tpu.memory_space<smem>>) -> (i32, i32, i32) {
    %c0_i32 = arith.constant 0 : i32
    %c0_i32_0 = arith.constant 0 : i32
    %c0_i32_1 = arith.constant 0 : i32
    return %arg0, %c0_i32, %c0_i32_0 : i32, i32, i32
  }
  func.func @transform_1(%arg0: i32, %arg1: memref<79xi32, #tpu.memory_space<smem>>, %arg2: memref<79xi32, #tpu.memory_space<smem>>) -> (i32, i32, i32) {
    %c0_i32 = arith.constant 0 : i32
    %c0_i32_0 = arith.constant 0 : i32
    %c0_i32_1 = arith.constant 0 : i32
    return %arg0, %c0_i32, %c0_i32_0 : i32, i32, i32
  }
  func.func @transform_2(%arg0: i32, %arg1: memref<79xi32, #tpu.memory_space<smem>>, %arg2: memref<79xi32, #tpu.memory_space<smem>>) -> (i32, i32) {
    %c0_i32 = arith.constant 0 : i32
    %c0_i32_0 = arith.constant 0 : i32
    return %arg0, %c0_i32 : i32, i32
  }
  func.func @transform_3(%arg0: i32, %arg1: memref<79xi32, #tpu.memory_space<smem>>, %arg2: memref<79xi32, #tpu.memory_space<smem>>) -> (i32, i32) {
    %c0_i32 = arith.constant 0 : i32
    %c0_i32_0 = arith.constant 0 : i32
    %c0_i32_1 = arith.constant 0 : i32
    return %c0_i32, %c0_i32_0 : i32, i32
  }
  func.func @transform_4(%arg0: i32, %arg1: memref<79xi32, #tpu.memory_space<smem>>, %arg2: memref<79xi32, #tpu.memory_space<smem>>) -> (i32, i32) {
    %c0_i32 = arith.constant 0 : i32
    %c0_i32_0 = arith.constant 0 : i32
    %c0_i32_1 = arith.constant 0 : i32
    return %c0_i32, %c0_i32_0 : i32, i32
  }
  func.func @transform_5(%arg0: i32, %arg1: memref<79xi32, #tpu.memory_space<smem>>, %arg2: memref<79xi32, #tpu.memory_space<smem>>) -> (i32, i32) {
    %c0_i32 = arith.constant 0 : i32
    %c0_i32_0 = arith.constant 0 : i32
    %c0_i32_1 = arith.constant 0 : i32
    return %c0_i32, %c0_i32_0 : i32, i32
  }
  func.func @transform_6(%arg0: i32, %arg1: memref<79xi32, #tpu.memory_space<smem>>, %arg2: memref<79xi32, #tpu.memory_space<smem>>) -> (i32, i32) {
    %c0_i32 = arith.constant 0 : i32
    %c0_i32_0 = arith.constant 0 : i32
    %c0_i32_1 = arith.constant 0 : i32
    return %c0_i32, %c0_i32_0 : i32, i32
  }
  func.func @transform_7(%arg0: i32, %arg1: memref<79xi32, #tpu.memory_space<smem>>, %arg2: memref<79xi32, #tpu.memory_space<smem>>) -> (i32, i32) {
    %c0_i32 = arith.constant 0 : i32
    %c0_i32_0 = arith.constant 0 : i32
    %c0_i32_1 = arith.constant 0 : i32
    return %c0_i32, %c0_i32_0 : i32, i32
  }
  func.func @transform_9(%arg0: i32, %arg1: memref<79xi32, #tpu.memory_space<smem>>, %arg2: memref<79xi32, #tpu.memory_space<smem>>) -> (i32, i32) {
    %c0_i32 = arith.constant 0 : i32
    %c0_i32_0 = arith.constant 0 : i32
    return %arg0, %c0_i32 : i32, i32
  }
}

</mosaic_0001>

<sc_bundles>
// kernel: gather_offload_async_start.1
scs
__scs_entry_jumppad:
0x0: {  	(pc) =	sbr.rel $0x88, $3  }
0x1: {  	(tag) =	ssettag $0x0;
	lr =	simm.s32 $0x1  }
0x2: {  	[smem:$0x3F9A] =	sst lr;
	_ =	strace $0xD0000000  }
0x3: {  	_ = 	snop  }
0x4: {  	_ = 	snop  }
0x5: {  	_ = 	snop  }
0x6: {  	_ = 	snop  }
0x7: {  	_ = 	snop  }
__scs_overlays_trampoline_lowered:
0x8: {  	[smem:$0x3FA9] =	sst s0  }
0x9: {  	[smem:$0x3FAA] =	sst s1  }
0xa: {  	[smem:$0x3FAB] =	sst s2  }
0xb: {  	[smem:$0x3FAC] =	sst s3  }
0xc: {  	[smem:$0x3FAD] =	sst s4  }
0xd: {  	[smem:$0x3FAE] =	sst s5  }
0xe: {  	[smem:$0x3FAF] =	sst s6  }
0xf: {  	[smem:$0x3FB0] =	sst s7  }
0x10: {  	[smem:$0x3FB1] =	sst s8  }
0x11: {  	[smem:$0x3FB2] =	sst s9;
	s0 =	simm.s32 @!p0 $0x0  }
0x12: {  	s1 =	sld [smem:$0x3F98];
	s0 =	simm.s32 @p0 $0x1  }
0x13: {  	[smem:$0x3FB3] =	sst s0;
	s0 =	simm.s32 @!p1 $0x0  }
0x14: {  	s2 =	sld [smem:$0x3F97];
	s0 =	simm.s32 @p1 $0x1  }
0x15: {  	[smem:$0x3FB4] =	sst s0;
	s0 =	simm.s32 @!p2 $0x0  }
0x16: {  	s3 =	sld [smem:$0x3FDB];
	s0 =	simm.s32 @p2 $0x1  }
0x17: {  	s4 =	simm.s32 $0x1BF5;
	[smem:$0x3FB6] =	sst s0  }
0x18: {  	s0 =	sld [smem:$0x3F99];
	_ =	swait.ge [sflag:s4], $0x0  }
0x19: {  	s7 =	sld [smem:$0x3F9A]  }
0x1a: {  	s8 =	sadd.s32 $0xFFFFE003, lr  }
0x1b: {  	s9 =	sadd.s32 $0xFFFFFEF7, lr;
	s5 =	simm.s32 $0xFFFFFFFF;
	p2 =	slt.u32 s8, $0xFFFFF086  }
0x1c: {  	p1 =	slt.u32 s9, $0xF7A;
	s5 =	simm.s32 @!p2 $0x0  }
0x1d: {  	s5 =	simm.s32 @p1 $0x1;
	p0 =	seq.s32 s7, s2  }
0x1e: {  	s7 =	smul.u32 @!p0 $0xF7A, s2;
	p2 =	seq.s32 @!p0 s5, $0x0  }
0x1f: {  	s9 =	smul.u32 $0xF7A, s1;
	s8 =	simm.s32 @!p0 $0x1BF5;
	p2 =	por !p2, p0  }
0x20: {  	[sflag:s8] =	ssyncset.s32 @!p0 $0xFFFFF086;
	s6 =	sadd.s32 @!p0 s3, s7;
	s7 =	simm.s32 @!p0 $0x108  }
0x21: {  	s3 =	sadd.s32 s3, s9;
	s6 =	sadd.s32 @!p0 $0x88, s6;
	s7 =	simm.s32 @p2 $0x1082  }
0x22: {  	[simem:s7], [sflag:s8] =	dma.local @!p0 [hbm:s6], $0xF7A  }
0x23: {  	s9 =	sor.u32 $0xD0000000, s2;
	s6 =	simm.s32 $0x108;
	_ =	swait.ge @!p0 [sflag:s8], $0x0  }
0x24: {  	s3 =	sadd.s32 $0x88, s3;
	s6 =	simm.s32 @!p1 $0x1082;
	[sflag:s4] =	ssyncset.s32 $0xFFFFF086  }
0x25: {  	[simem:s6], [sflag:s4] =	dma.local [hbm:s3], $0xF7A  }
0x26: {  	[smem:$0x3F9A] =	sst s1;
	(tag) =	ssettag s2;
	_ =	strace s9  }
0x27: {  	s1 =	sld [smem:$0x3FAA]  }
0x28: {  	s2 =	sld [smem:$0x3FAB]  }
0x29: {  	s4 =	sld [smem:$0x3FAD]  }
0x2a: {  	p0 =	seq.s32 s5, $0x0;
	s5 =	sld [smem:$0x3FAE]  }
0x2b: {  	s6 =	sld [smem:$0x3FAF]  }
0x2c: {  	s7 =	sld [smem:$0x3FB0]  }
0x2d: {  	s3 =	simm.s32 $0x108;
	s8 =	sld [smem:$0x3FB1]  }
0x2e: {  	s3 =	simm.s32 @!p0 $0x1082;
	s9 =	sld [smem:$0x3FB2]  }
0x2f: {  	lr =	sadd.s32 s0, s3;
	s0 =	sld [smem:$0x3FA9]  }
0x30: {  	s3 =	sld [smem:$0x3FAC]  }
0x31: {  	[smem:$0x3FB5] =	sst s10  }
0x32: {  	s10 =	sld [smem:$0x3FB3];
	_ =	sdelay $0x3  }
0x33: {  	p0 =	seq.s32 s10, $0x1;
	s10 =	sld [smem:$0x3FB5];
	_ =	sdelay $0x3  }
0x34: {  	[smem:$0x3FB5] =	sst s10  }
0x35: {  	s10 =	sld [smem:$0x3FB4];
	_ =	sdelay $0x3  }
0x36: {  	p1 =	seq.s32 s10, $0x1;
	s10 =	sld [smem:$0x3FB5];
	_ =	sdelay $0x3  }
0x37: {  	[smem:$0x3FB5] =	sst s10  }
0x38: {  	s10 =	sld [smem:$0x3FB6]  }
0x39: {  	_ = 	snop;
	(pc) =	sbr.ind lr, $3  }
0x3a: {  	_ = 	snop  }
0x3b: {  	_ = 	snop  }
0x3c: {  	p2 =	seq.s32 s10, $0x1;
	s10 =	sld [smem:$0x3FB5]  }
0x3d: {  	_ =	shalt  }
0x3e: {  	_ =	shalt  }
0x3f: {  	_ =	shalt  }
0x40: {  	_ =	shalt  }
0x41: {  	_ =	shalt  }
0x42: {  	_ =	shalt  }
0x43: {  	_ =	shalt  }
0x44: {  	_ =	shalt  }
0x45: {  	_ =	shalt  }
0x46: {  	_ =	shalt  }
0x47: {  	_ =	shalt  }
0x48: {  	_ =	shalt  }
0x49: {  	_ =	shalt  }
0x4a: {  	_ =	shalt  }
0x4b: {  	_ =	shalt  }
0x4c: {  	_ =	shalt  }
0x4d: {  	_ =	shalt  }
0x4e: {  	_ =	shalt  }
0x4f: {  	_ =	shalt  }
0x50: {  	_ =	shalt  }
0x51: {  	_ =	shalt  }
0x52: {  	_ =	shalt  }
0x53: {  	_ =	shalt  }
0x54: {  	_ =	shalt  }
0x55: {  	_ =	shalt  }
0x56: {  	_ =	shalt  }
0x57: {  	_ =	shalt  }
0x58: {  	_ =	shalt  }
0x59: {  	_ =	shalt  }
0x5a: {  	_ =	shalt  }
0x5b: {  	_ =	shalt  }
0x5c: {  	_ =	shalt  }
0x5d: {  	_ =	shalt  }
0x5e: {  	_ =	shalt  }
0x5f: {  	_ =	shalt  }
0x60: {  	_ =	shalt  }
0x61: {  	_ =	shalt  }
0x62: {  	_ =	shalt  }
0x63: {  	_ =	shalt  }
0x64: {  	_ =	shalt  }
0x65: {  	_ =	shalt  }
0x66: {  	_ =	shalt  }
0x67: {  	_ =	shalt  }
0x68: {  	_ =	shalt  }
0x69: {  	_ =	shalt  }
0x6a: {  	_ =	shalt  }
0x6b: {  	_ =	shalt  }
0x6c: {  	_ =	shalt  }
0x6d: {  	_ =	shalt  }
0x6e: {  	_ =	shalt  }
0x6f: {  	_ =	shalt  }
0x70: {  	_ =	shalt  }
0x71: {  	_ =	shalt  }
0x72: {  	_ =	shalt  }
0x73: {  	_ =	shalt  }
0x74: {  	_ =	shalt  }
0x75: {  	_ =	shalt  }
0x76: {  	_ =	shalt  }
0x77: {  	_ =	shalt  }
0x78: {  	_ =	shalt  }
0x79: {  	_ =	shalt  }
0x7a: {  	_ =	shalt  }
0x7b: {  	_ =	shalt  }
0x7c: {  	_ =	shalt  }
0x7d: {  	_ =	shalt  }
0x7e: {  	_ =	shalt  }
0x7f: {  	_ =	shalt  }
0x80: {  	_ =	shalt  }
0x81: {  	_ =	shalt  }
0x82: {  	_ =	shalt  }
0x83: {  	_ =	shalt  }
0x84: {  	_ =	shalt  }
0x85: {  	_ =	shalt  }
0x86: {  	_ =	shalt  }
0x87: {  	_ =	shalt  }
.Lfunc_end0:
.L_simem_size_0:
called_computation.1_lowered:
.L_overlay_start_0:
0x88: {  	s2 =	sld [smem:$0x3FD9]  }
0x89: {  	s3 =	sld [smem:$0x3FFE];
	_ =	sdelay $0x1  }
0x8a: {  	s1 =	srdreg.scid  }
0x8b: {  	s0 =	sand.u32 $0x1, s1  }
0x8c: {  	s17 =	sshll.u32 s0, $0xA;
	s2 =	sadd.s32 s3, s2  }
0x8d: {  	s2 =	sadd.s32 s2, s17  }
0x8e: {  	[smem:$0x3FC1] =	sst s2  }
0x8f: {  	_ = 	snop  }
0x90: {  	(tm) =	ssettm $0x1  }
0x91: {  	s18 =	sld [smem:$0x3FFB];
	_ =	sdelay $0x3  }
0x92: {  	_ =	strace s18  }
0x93: {  	s2 =	sld [smem:$0x3FFC];
	_ =	sdelay $0x3  }
0x94: {  	_ =	strace s2  }
0x95: {  	s2 =	sld [smem:$0x3FFD];
	_ =	sdelay $0x3  }
0x96: {  	_ =	strace s2  }
0x97: {  	_ =	strace $0x8FFFFFFF  }
0x98: {  	s19 =	sld [smem:$0x3FDB];
	_ =	sdelay $0x1  }
0x99: {  	s20 =	simm.s32 $_scs_section_size  }
0x9a: {  	s4 =	simm.s32 $_size__tile_overlayer_lowered;
	s5 =	simm.s32 $_tile_overlayer_lowered  }
0x9b: {  	s6 =	simm.s32 $0x1BFF;
	s21 =	sshll.u32 s5, $0x1;
	s3 =	sadd.s32 s20, s19  }
0x9c: {  	s22 =	simm.s32 $0x0;
	s4 =	sshll.u32 s4, $0x1;
	s5 =	sadd.s32 s21, s3  }
0x9d: {  	[timem:s22], [sflag:s6] =	dma.local [hbm:s5], s4  }
0x9e: {  	_ =	swait.ge [sflag:s6], s4  }
0x9f: {  	s4 =	ssub.s32 $0x0, s4;
	[sflag:s6] =	ssyncset.done $0x0  }
0xa0: {  	[sflag:s6] =	ssyncadd.s32 s4;
	_ =	sdelay $0x1  }
0xa1: {  	s23 =	simm.s32 $0x1B8B  }
0xa2: {  	_ =	swait.ge [sflag:s23], $0x1  }
0xa3: {  	[sflag:s23] =	ssyncset.done $0x0  }
0xa4: {  	[sflag:s23] =	ssyncadd.s32 $0xFFFFFFFF  }
0xa5: {  	s4 =	sld [smem:$0x0]  }
0xa6: {  	s5 =	sand.u32 $0xFFFFFFFE, s1  }
0xa7: {  	p0 =	sne.s32 s1, s5  }
0xa8: {  	s5 =	sshll.u32 @p0 s5, $0xE  }
0xa9: {  	s5 =	sadd.s32 @p0 $0x11B8D, s5;
	s6 =	sshll.u32 @p0 s4, $0x11  }
0xaa: {  	s5 =	sor.u32 @p0 s6, s5  }
0xab: {  	[sflag:s5] =	ssyncadd.remote.s32 @p0 $0x1;
	_ =	sdelay $0x1  }
0xac: {  	s5 =	simm.s32 @p0 $0x1B8D  }
0xad: {  	_ =	swait.eq @p0 [sflag:s5], $0x1  }
0xae: {  	[sflag:s5] =	ssyncadd.s32 @p0 $0xFFFFFFFF  }
0xaf: {  	s6 =	sshll.u32 @!p0 s1, $0xE  }
0xb0: {  	s6 =	sor.u32 @!p0 $0x4000, s6;
	s5 =	simm.s32 @!p0 $0x1B8D  }
0xb1: {  	s4 =	sshll.u32 @!p0 s4, $0x11;
	s6 =	sadd.s32 @!p0 $0x11B8D, s6;
	_ =	swait.eq @!p0 [sflag:s5], $0x1  }
0xb2: {  	s4 =	sor.u32 @!p0 s4, s6;
	[sflag:s5] =	ssyncadd.s32 @!p0 $0xFFFFFFFF  }
0xb3: {  	s25 =	simm.s32 $0x1B8E;
	s24 =	sld [smem:$0x3FFE];
	[sflag:s4] =	ssyncadd.remote.s32 @!p0 $0x1  }
0xb4: {  	s26 =	simm.s32 $execute0_lowered;
	[smem:$0x3FD2] =	sst s25  }
0xb5: {  	s5 =	sshll.u32 s26, $0x1;
	_ =	strace $0x80000049;
	[dreg:$0x1] =	wrdreg $0xFFFFFFFF  }
0xb6: {  	s28 =	simm.s32 $_size_execute0_lowered;
	s3 =	sadd.s32 s3, s5;
	[dreg:$0x0] =	wrdreg $0x0  }
0xb7: {  	s5 =	sshll.u32 s28, $0x1;
	[dreg:$0x2] =	wrdreg s3  }
0xb8: {  	[dreg:$0x3] =	wrdreg s5  }
0xb9: {  	[dreg:$0x4] =	wrdreg $0xC0  }
0xba: {  	_ =	task [dreg:s22], $0x5FFFF  }
0xbb: {  	[dreg:$0x1] =	wrdreg $0xFFFFFFFF  }
0xbc: {  	[dreg:$0x0] =	wrdreg $0x60  }
0xbd: {  	[dreg:$0x2] =	wrdreg s24  }
0xbe: {  	[dreg:$0x3] =	wrdreg $0xA  }
0xbf: {  	_ =	task.clear_ibuf [dreg:s22], $0x4FFFF;
	_ =	strace $0x90000049  }
0xc0: {  	s29 =	simm.s32 $0xA;
	_ =	strace $0x8000004B  }
0xc1: {  	_ =	swait.ge [sflag:s29], $0x1  }
0xc2: {  	[sflag:s29] =	ssyncadd.s32 $0xFFFFFFFF  }
0xc3: {  	_ =	strace $0x9000004B  }
0xc4: {  	_ =	sfence  }
0xc5: {  	s30 =	sld [smem:$0x0];
	_ =	sdelay $0x2  }
0xc6: {  	s31 =	sshll.u32 s1, $0xD;
	s1 =	sshrl.u32 s1, $0x2  }
0xc7: {  	s4 =	sand.u32 $0x4000, s31;
	s1 =	sadd.s32 s1, s30  }
0xc8: {  	s0 =	sor.u32 s4, s0;
	s1 =	sshll.u32 s1, $0x11  }
0xc9: {  	s0 =	sor.u32 s1, s0  }
0xca: {  	s0 =	sadd.s32 $0x8F2B, s0  }
0xcb: {  	[sflag:s0] =	ssyncadd.remote.s32 $0x1  }
0xcc: {  	_ =	sfence.sel $0xFFFF  }
0xcd: {  	[dreg:$0x0] =	wrdreg $0xFFFFFFFF;
	(pc) =	sbr.abs _section_cstart, $3  }
0xce: {  	[dreg:$0x1] =	wrdreg $0xFFFFFFFF  }
0xcf: {  	_ =	task.clear_ibuf [dreg:s22], $0x2FFFF;
	_ =	strace $0x9FFFFFFF  }
0xd0: {  	(tm) =	ssettm $0x7FFFFFFF  }
0xd1: {  	_ =	shalt  }
tec
execute0_lowered:
.L_overlay_start_1:
0x0: {  	(tag) =	ssettag $0x1  }
0x1: {  	s0 =	srdreg.scid;
	s5 =	rddreg [dreg:$0x0]  }
0x2: {  	s1 =	stileid.u32;
	s6 =	simm.s32 $0x1;
	s9 =	simm.s32 $0x1  }
0x3: {  	s10 =	simm.s32 $0x3;
	s13 =	simm.s32 $0x0;
	s2 =	sshll.u32 s0, $0x6  }
0x4: {  	s12 =	simm.s32 $0x0;
	s3 =	sshll.u32 s1, $0x7;
	s2 =	sand.u32 $0x40, s2  }
0x5: {  	s0 =	rddreg [dreg:$0x1];
	_ =	strace $0x8000004A;
	s2 =	sor.u32 s3, s2  }
0x6: {  	s4 =	sadd.s32 $0x1800, s5;
	[sflag:s6] =	ssyncpa.u1 $0x0;
	s8 =	ssub.s32 $0x2780, s2  }
.Ltmp0:
0x7: {  	s3 =	sadd.s32 $0x2400, s5;
	s7 =	sand.u32 $0x7C0, s8;
	(pc) =	sbr.rel .LBB2_1-.Ltmp0, $4  }
0x8: {  	s5 =	sadd.s32 $0x3000, s5;
	s11 =	smov.u32 s2;
	p0 =	sne.s32 s7, $0x0  }
0x9: {  	s8 =	sshrl.u32 s8, $0xB;
	s7 =	simm.s32 $0x2;
	s9 =	simm.s32 @!p0 $0x0  }
0xa: {  	[sflag:s7] =	ssyncpa.u1 $0x0;
	p0 =	por $0x0, $0x0;
	s8 =	sadd.s32 s9, s8  }
0xb: {  	vm0 =	vmmov $0xffff;
	[sflag:s10] =	ssyncpa.u1 $0x0;
	s10 =	simm.s32 $0x0;
	s9 =	sadd.s32 $0x1, s8  }
.LBB2_4:
0xc: {  	v2 =	vnsel vm1, $0x0, v2  }
0xd: {  	vm1 =	vgt.s32 v0, $0x0;
	v2 =	vmin.u32 v2, $0x2780  }
0xe: {  	v0 =	vnsel vm1, $0x0, v0  }
0xf: {  	v0 =	vmin.u32 v0, $0x2780  }
0x10: {  	[tilespmem:s15], [sflag:$0x1] =	stream.indirect_vreg.gather [hbm4b:s3+s10], $0x1, v1, vm0, $0x4038;
	[tilespmem:$0x100] =	vst v63  }
0x11: {  	(ifvalue) =	ssetifvalue $0x7FFFFFFF  }
0x12: {  	[tilespmem:s16], [sflag:$0x1] =	stream.indirect_vreg.gather [hbm4b:s3+s10], $0x1, v2, vm0, $0x4038;
	[tilespmem:$0x100] =	vst v63  }
0x13: {  	s29 =	sadd.s32 $0x10, s16;
	(ifvalue) =	ssetifvalue $0x7FFFFFFF  }
0x14: {  	[tilespmem:s29], [sflag:$0x1] =	stream.indirect_vreg.gather [hbm4b:s3+s10], $0x1, v0, vm0, $0x4038;
	[tilespmem:$0x100] =	vst v63  }
0x15: {  	_ =	swait.ge [sflag:s6], $0x40  }
0x16: {  	s30 =	sshrl.u32 s13, $0x3;
	[sflag:s6] =	ssyncset.done $0x0  }
0x17: {  	s31 =	sand.u32 $0x7, s13;
	s15 =	sadd.s32 s5, s30;
	[sflag:s6] =	ssyncadd.s32 $0xFFFFFFC0  }
0x18: {  	[hbm4b:s15+s31] =	stream.linear.scatter [tilespmem:s14], [sflag:$0x3], $0x40, $0x38;
	[tilespmem:$0x100] =	vst v63  }
.LBB2_5:
0x19: {  	s15 =	sadd.s32 $0x800, s11  }
0x1a: {  	p2 =	sgt.s32 s15, $0x277F  }
0x1b: {  	s15 =	smov.u32 @p2 s2;
	p2 =	sne.s32 s12, s9  }
.Ltmp1:
0x1c: {  	p1 =	slt.u32 s12, $0x2;
	(pc) =	sbr.rel @!p2 .LBB2_6-.Ltmp1, $4  }
0x1d: {  	s14 =	simm.s32 @!p1 $0x3  }
0x1e: {  	s16 =	sadd.s32 $0x1, s12;
	_ =	swait.ge @!p1 [sflag:s14], $0x40  }
0x1f: {  	s13 =	smov.u32 s11;
	p0 =	por !p0, !p0;
	[sflag:s14] =	ssyncset.done @!p1 $0x0  }
0x20: {  	s12 =	smov.u32 s16;
	s11 =	smov.u32 s15;
	[sflag:s14] =	ssyncadd.s32 @!p1 $0xFFFFFFC0  }
.LBB2_1:
0x21: {  	p1 =	sge.u32 s12, s8  }
0x22: {  	s14 =	sxor.u32 @!p1 $0xFFFFFFFF, s12  }
0x23: {  	s31 =	sadd.s32 $0xFFFFFFFF, s12;
	s15 =	sshrl.u32 @!p1 s11, $0x3;
	s14 =	sshll.u32 @!p1 s14, $0x6  }
0x24: {  	s16 =	sand.u32 @!p1 $0x7, s11;
	s15 =	sadd.s32 @!p1 s4, s15;
	s14 =	sand.u32 @!p1 $0x40, s14  }
0x25: {  	[tilespmem:s14], [sflag:$0x2] =	stream.linear.gather @!p1 [hbm4b:s15+s16], $0x40, $0x38;
	[tilespmem:$0x100] =	vst v63  }
0x26: {  	p1 =	sge.u32 s31, s8  }
.Ltmp2:
0x27: {  	_ = 	snop;
	(pc) =	sbr.rel @p1 .LBB2_5-.Ltmp2, $1  }
0x28: {  	_ =	sdelay $0x3  }
0x29: {  	s14 =	simm.s32 $0x1  }
0x2a: {  	_ =	swait.ge [sflag:s7], $0x40;
	s14 =	simm.s32 @!p0 $0x0  }
0x2b: {  	[sflag:s7] =	ssyncset.done $0x0;
	s14 =	sshll.u32 s14, $0x6  }
0x2c: {  	[sflag:s7] =	ssyncadd.s32 $0xFFFFFFC0;
	(ifvalue) =	ssetifvalue $0x7FFFFFFF;
	v0 =	vld.msk [tilespmem:s14+$0x0 ss:$0x1], $0xffff;
	_ =	sdelay $0x4  }
0x2d: {  	s15 =	sadd.s32 $0x10, s14;
	vm1 =	vgt.s32 v0, $0x0  }
0x2e: {  	v2 =	vld.msk [tilespmem:s15+$0x0 ss:$0x1], $0xffff;
	v1 =	vnsel vm1, $0x0, v0  }
0x2f: {  	v1 =	vmin.u32 v1, $0x2780;
	_ =	sdelay $0x1  }
0x30: {  	s16 =	sshll.u32 s12, $0x6;
	s18 =	simm.s32 $0x20  }
0x31: {  	s16 =	sand.u32 $0x40, s16;
	s17 =	sadd.s32 $0x10, s15;
	s15 =	sor.u32 $0x80, s14  }
0x32: {  	s14 =	sor.u32 $0x80, s16;
	s16 =	sadd.s32 $0x10, s15;
	v0 =	vld.msk [tilespmem:s17+$0x0 ss:$0x1], $0xffff;
	vm1 =	vgt.s32 v2, $0x0;
	(ifvalue) =	ssetifvalue $0x7FFFFFFF  }
.LBB2_3:
0x33: {  	[tilespmem:s15], [sflag:$0x1] =	stream.indirect_vreg.gather [hbm4b:s3+s10], $0x1, v1, vm0, $0x4038;
	[tilespmem:$0x100] =	vst v63  }
0x34: {  	s18 =	sadd.s32 $0x10, s18  }
0x35: {  	v2 =	vnsel vm1, $0x0, v2;
	p1 =	slt.u32 s18, $0x30  }
.Ltmp3:
0x36: {  	s15 =	smov.u32 s16;
	v1 =	vmin.u32 v2, $0x2780;
	(pc) =	sbr.rel @p1 .LBB2_3-.Ltmp3, $3  }
0x37: {  	_ =	sdelay $0x1  }
0x38: {  	s17 =	sadd.s32 $0x10, s17  }
0x39: {  	vm1 =	vgt.s32 v0, $0x0;
	s16 =	sadd.s32 $0x10, s16;
	v2 =	vmov v0;
	(ifvalue) =	ssetifvalue $0x7FFFFFFF;
	v0 =	vld.msk [tilespmem:s17+$0x0 ss:$0x1], $0xffff  }
.Ltmp4:
0x3a: {  	_ = 	snop;
	(pc) =	sbr.rel .LBB2_4-.Ltmp4, $1  }
0x3b: {  	_ =	sdelay $0x3  }
.LBB2_6:
0x3c: {  	_ =	sfence.sel $0x180000  }
0x3d: {  	s2 =	simm.s32 $0x2;
	[bflag:$0x0] =	sbarrier.arrive $0xFFFF  }
0x3e: {  	s30 =	simm.s32 $0x3;
	[sflag:s2] =	ssyncpa.u1 $0x1  }
0x3f: {  	s31 =	simm.s32 $0x1;
	[sflag:s30] =	ssyncpa.u1 $0x1  }
0x40: {  	[sflag:s31] =	ssyncpa.u1 $0x1  }
0x41: {  	p0 =	sne.s32 s1, $0x0;
	_ =	strace $0x9000004A  }
0x42: {  	s0 =	sadd.s32 @!p0 $0x100000, s0;
	[bflag:$0x2] =	sbarrier.arrive $0xFFFF  }
0x43: {  	[sflag:s0] =	ssyncadd.tile.s32 @!p0 $0x1;
	_ =	shalt  }
.Lfunc_end2:
_tile_overlayer_lowered:
.L_overlay_start_2:
0x44: {  	(tag) =	ssettag $0x2  }
0x45: {  	s0 =	rddreg [dreg:$0x0];
	s2 =	stileid.u32  }
0x46: {  	s1 =	rddreg [dreg:$0x1];
	p0 =	sne.s32 s2, $0x0  }
0x47: {  	s3 =	rddreg [dreg:$0x2];
	[bflag:$0x3] =	sbarrier.arrive $0xFFFF;
	s2 =	simm.s32 @!p0 $0x1C01  }
0x48: {  	[timem:s3], [sflag:s2] =	dma.local @!p0 [hbm:s0], s1  }
0x49: {  	s0 =	simm.s32 @!p0 $0x1  }
0x4a: {  	_ =	swait.ge @!p0 [sflag:s0], s1  }
0x4b: {  	s1 =	ssub.s32 @!p0 $0x0, s1;
	[sflag:s0] =	ssyncset.done @!p0 $0x0  }
0x4c: {  	[sflag:s0] =	ssyncadd.s32 @!p0 s1  }
0x4d: {  	[bflag:$0x3] =	sbarrier.arrive $0xFFFF  }
0x4e: {  	_ =	shalt  }

// kernel: gather_offload_async_start
scs
__scs_entry_jumppad:
0x0: {  	(pc) =	sbr.rel $0x88, $3  }
0x1: {  	(tag) =	ssettag $0x0;
	lr =	simm.s32 $0x1  }
0x2: {  	[smem:$0x3F9A] =	sst lr;
	_ =	strace $0xD0000000  }
0x3: {  	_ = 	snop  }
0x4: {  	_ = 	snop  }
0x5: {  	_ = 	snop  }
0x6: {  	_ = 	snop  }
0x7: {  	_ = 	snop  }
__scs_overlays_trampoline_lowered:
0x8: {  	[smem:$0x3FA9] =	sst s0  }
0x9: {  	[smem:$0x3FAA] =	sst s1  }
0xa: {  	[smem:$0x3FAB] =	sst s2  }
0xb: {  	[smem:$0x3FAC] =	sst s3  }
0xc: {  	[smem:$0x3FAD] =	sst s4  }
0xd: {  	[smem:$0x3FAE] =	sst s5  }
0xe: {  	[smem:$0x3FAF] =	sst s6  }
0xf: {  	[smem:$0x3FB0] =	sst s7  }
0x10: {  	[smem:$0x3FB1] =	sst s8  }
0x11: {  	[smem:$0x3FB2] =	sst s9;
	s0 =	simm.s32 @!p0 $0x0  }
0x12: {  	s1 =	sld [smem:$0x3F98];
	s0 =	simm.s32 @p0 $0x1  }
0x13: {  	[smem:$0x3FB3] =	sst s0;
	s0 =	simm.s32 @!p1 $0x0  }
0x14: {  	s2 =	sld [smem:$0x3F97];
	s0 =	simm.s32 @p1 $0x1  }
0x15: {  	[smem:$0x3FB4] =	sst s0;
	s0 =	simm.s32 @!p2 $0x0  }
0x16: {  	s3 =	sld [smem:$0x3FDB];
	s0 =	simm.s32 @p2 $0x1  }
0x17: {  	s4 =	simm.s32 $0x1BF5;
	[smem:$0x3FB6] =	sst s0  }
0x18: {  	s0 =	sld [smem:$0x3F99];
	_ =	swait.ge [sflag:s4], $0x0  }
0x19: {  	s7 =	sld [smem:$0x3F9A]  }
0x1a: {  	s8 =	sadd.s32 $0xFFFFE003, lr  }
0x1b: {  	s9 =	sadd.s32 $0xFFFFFEF7, lr;
	s5 =	simm.s32 $0xFFFFFFFF;
	p2 =	slt.u32 s8, $0xFFFFF086  }
0x1c: {  	p1 =	slt.u32 s9, $0xF7A;
	s5 =	simm.s32 @!p2 $0x0  }
0x1d: {  	s5 =	simm.s32 @p1 $0x1;
	p0 =	seq.s32 s7, s2  }
0x1e: {  	s7 =	smul.u32 @!p0 $0xF7A, s2;
	p2 =	seq.s32 @!p0 s5, $0x0  }
0x1f: {  	s9 =	smul.u32 $0xF7A, s1;
	s8 =	simm.s32 @!p0 $0x1BF5;
	p2 =	por !p2, p0  }
0x20: {  	[sflag:s8] =	ssyncset.s32 @!p0 $0xFFFFF086;
	s6 =	sadd.s32 @!p0 s3, s7;
	s7 =	simm.s32 @!p0 $0x108  }
0x21: {  	s3 =	sadd.s32 s3, s9;
	s6 =	sadd.s32 @!p0 $0x88, s6;
	s7 =	simm.s32 @p2 $0x1082  }
0x22: {  	[simem:s7], [sflag:s8] =	dma.local @!p0 [hbm:s6], $0xF7A  }
0x23: {  	s9 =	sor.u32 $0xD0000000, s2;
	s6 =	simm.s32 $0x108;
	_ =	swait.ge @!p0 [sflag:s8], $0x0  }
0x24: {  	s3 =	sadd.s32 $0x88, s3;
	s6 =	simm.s32 @!p1 $0x1082;
	[sflag:s4] =	ssyncset.s32 $0xFFFFF086  }
0x25: {  	[simem:s6], [sflag:s4] =	dma.local [hbm:s3], $0xF7A  }
0x26: {  	[smem:$0x3F9A] =	sst s1;
	(tag) =	ssettag s2;
	_ =	strace s9  }
0x27: {  	s1 =	sld [smem:$0x3FAA]  }
0x28: {  	s2 =	sld [smem:$0x3FAB]  }
0x29: {  	s4 =	sld [smem:$0x3FAD]  }
0x2a: {  	p0 =	seq.s32 s5, $0x0;
	s5 =	sld [smem:$0x3FAE]  }
0x2b: {  	s6 =	sld [smem:$0x3FAF]  }
0x2c: {  	s7 =	sld [smem:$0x3FB0]  }
0x2d: {  	s3 =	simm.s32 $0x108;
	s8 =	sld [smem:$0x3FB1]  }
0x2e: {  	s3 =	simm.s32 @!p0 $0x1082;
	s9 =	sld [smem:$0x3FB2]  }
0x2f: {  	lr =	sadd.s32 s0, s3;
	s0 =	sld [smem:$0x3FA9]  }
0x30: {  	s3 =	sld [smem:$0x3FAC]  }
0x31: {  	[smem:$0x3FB5] =	sst s10  }
0x32: {  	s10 =	sld [smem:$0x3FB3];
	_ =	sdelay $0x3  }
0x33: {  	p0 =	seq.s32 s10, $0x1;
	s10 =	sld [smem:$0x3FB5];
	_ =	sdelay $0x3  }
0x34: {  	[smem:$0x3FB5] =	sst s10  }
0x35: {  	s10 =	sld [smem:$0x3FB4];
	_ =	sdelay $0x3  }
0x36: {  	p1 =	seq.s32 s10, $0x1;
	s10 =	sld [smem:$0x3FB5];
	_ =	sdelay $0x3  }
0x37: {  	[smem:$0x3FB5] =	sst s10  }
0x38: {  	s10 =	sld [smem:$0x3FB6]  }
0x39: {  	_ = 	snop;
	(pc) =	sbr.ind lr, $3  }
0x3a: {  	_ = 	snop  }
0x3b: {  	_ = 	snop  }
0x3c: {  	p2 =	seq.s32 s10, $0x1;
	s10 =	sld [smem:$0x3FB5]  }
0x3d: {  	_ =	shalt  }
0x3e: {  	_ =	shalt  }
0x3f: {  	_ =	shalt  }
0x40: {  	_ =	shalt  }
0x41: {  	_ =	shalt  }
0x42: {  	_ =	shalt  }
0x43: {  	_ =	shalt  }
0x44: {  	_ =	shalt  }
0x45: {  	_ =	shalt  }
0x46: {  	_ =	shalt  }
0x47: {  	_ =	shalt  }
0x48: {  	_ =	shalt  }
0x49: {  	_ =	shalt  }
0x4a: {  	_ =	shalt  }
0x4b: {  	_ =	shalt  }
0x4c: {  	_ =	shalt  }
0x4d: {  	_ =	shalt  }
0x4e: {  	_ =	shalt  }
0x4f: {  	_ =	shalt  }
0x50: {  	_ =	shalt  }
0x51: {  	_ =	shalt  }
0x52: {  	_ =	shalt  }
0x53: {  	_ =	shalt  }
0x54: {  	_ =	shalt  }
0x55: {  	_ =	shalt  }
0x56: {  	_ =	shalt  }
0x57: {  	_ =	shalt  }
0x58: {  	_ =	shalt  }
0x59: {  	_ =	shalt  }
0x5a: {  	_ =	shalt  }
0x5b: {  	_ =	shalt  }
0x5c: {  	_ =	shalt  }
0x5d: {  	_ =	shalt  }
0x5e: {  	_ =	shalt  }
0x5f: {  	_ =	shalt  }
0x60: {  	_ =	shalt  }
0x61: {  	_ =	shalt  }
0x62: {  	_ =	shalt  }
0x63: {  	_ =	shalt  }
0x64: {  	_ =	shalt  }
0x65: {  	_ =	shalt  }
0x66: {  	_ =	shalt  }
0x67: {  	_ =	shalt  }
0x68: {  	_ =	shalt  }
0x69: {  	_ =	shalt  }
0x6a: {  	_ =	shalt  }
0x6b: {  	_ =	shalt  }
0x6c: {  	_ =	shalt  }
0x6d: {  	_ =	shalt  }
0x6e: {  	_ =	shalt  }
0x6f: {  	_ =	shalt  }
0x70: {  	_ =	shalt  }
0x71: {  	_ =	shalt  }
0x72: {  	_ =	shalt  }
0x73: {  	_ =	shalt  }
0x74: {  	_ =	shalt  }
0x75: {  	_ =	shalt  }
0x76: {  	_ =	shalt  }
0x77: {  	_ =	shalt  }
0x78: {  	_ =	shalt  }
0x79: {  	_ =	shalt  }
0x7a: {  	_ =	shalt  }
0x7b: {  	_ =	shalt  }
0x7c: {  	_ =	shalt  }
0x7d: {  	_ =	shalt  }
0x7e: {  	_ =	shalt  }
0x7f: {  	_ =	shalt  }
0x80: {  	_ =	shalt  }
0x81: {  	_ =	shalt  }
0x82: {  	_ =	shalt  }
0x83: {  	_ =	shalt  }
0x84: {  	_ =	shalt  }
0x85: {  	_ =	shalt  }
0x86: {  	_ =	shalt  }
0x87: {  	_ =	shalt  }
.Lfunc_end0:
.L_simem_size_0:
called_computation_lowered:
.L_overlay_start_0:
0x88: {  	s2 =	sld [smem:$0x3FD9]  }
0x89: {  	s3 =	sld [smem:$0x3FFE];
	_ =	sdelay $0x1  }
0x8a: {  	s1 =	srdreg.scid  }
0x8b: {  	s0 =	sand.u32 $0x1, s1  }
0x8c: {  	s16 =	sshll.u32 s0, $0xA;
	s2 =	sadd.s32 s3, s2  }
0x8d: {  	s2 =	sadd.s32 s2, s16  }
0x8e: {  	[smem:$0x3FC1] =	sst s2  }
0x8f: {  	_ = 	snop  }
0x90: {  	(tm) =	ssettm $0x1  }
0x91: {  	s17 =	sld [smem:$0x3FFB];
	_ =	sdelay $0x3  }
0x92: {  	_ =	strace s17  }
0x93: {  	s2 =	sld [smem:$0x3FFC];
	_ =	sdelay $0x3  }
0x94: {  	_ =	strace s2  }
0x95: {  	s2 =	sld [smem:$0x3FFD];
	_ =	sdelay $0x3  }
0x96: {  	_ =	strace s2  }
0x97: {  	_ =	strace $0x8FFFFFFF  }
0x98: {  	s18 =	sld [smem:$0x3FDB];
	_ =	sdelay $0x1  }
0x99: {  	s19 =	simm.s32 $_scs_section_size  }
0x9a: {  	s4 =	simm.s32 $_size__tile_overlayer_lowered;
	s5 =	simm.s32 $_tile_overlayer_lowered  }
0x9b: {  	s22 =	simm.s32 $0x1BFF;
	s21 =	sshll.u32 s5, $0x1;
	s2 =	sadd.s32 s19, s18  }
0x9c: {  	s6 =	simm.s32 $0x0;
	s20 =	sshll.u32 s4, $0x1;
	s4 =	sadd.s32 s21, s2  }
0x9d: {  	[timem:s6], [sflag:s22] =	dma.local [hbm:s4], s20  }
0x9e: {  	_ =	swait.ge [sflag:s22], s20  }
0x9f: {  	s3 =	ssub.s32 $0x0, s20;
	[sflag:s22] =	ssyncset.done $0x0  }
0xa0: {  	[sflag:s22] =	ssyncadd.s32 s3;
	_ =	sdelay $0x1  }
0xa1: {  	s23 =	simm.s32 $0x1B8B  }
0xa2: {  	_ =	swait.ge [sflag:s23], $0x1  }
0xa3: {  	[sflag:s23] =	ssyncset.done $0x0  }
0xa4: {  	s25 =	simm.s32 $0x1B8E;
	s24 =	sld [smem:$0x3FFE];
	[sflag:s23] =	ssyncadd.s32 $0xFFFFFFFF  }
0xa5: {  	s26 =	simm.s32 $execute0_lowered;
	[smem:$0x3FD2] =	sst s25  }
0xa6: {  	s4 =	sshll.u32 s26, $0x1;
	_ =	strace $0x80000046;
	[dreg:$0x1] =	wrdreg $0xFFFFFFFF  }
0xa7: {  	s28 =	simm.s32 $_size_execute0_lowered;
	s2 =	sadd.s32 s2, s4;
	[dreg:$0x0] =	wrdreg $0x0  }
0xa8: {  	s4 =	sshll.u32 s28, $0x1;
	[dreg:$0x2] =	wrdreg s2  }
0xa9: {  	[dreg:$0x3] =	wrdreg s4  }
0xaa: {  	[dreg:$0x4] =	wrdreg $0xC0  }
0xab: {  	_ =	task [dreg:s6], $0x5FFFF  }
0xac: {  	[dreg:$0x1] =	wrdreg $0xFFFFFFFF  }
0xad: {  	[dreg:$0x0] =	wrdreg $0x60  }
0xae: {  	[dreg:$0x2] =	wrdreg s24  }
0xaf: {  	[dreg:$0x3] =	wrdreg $0x9  }
0xb0: {  	_ =	task.clear_ibuf [dreg:s6], $0x4FFFF;
	_ =	strace $0x90000046  }
0xb1: {  	s29 =	simm.s32 $0x9;
	_ =	strace $0x80000048  }
0xb2: {  	_ =	swait.ge [sflag:s29], $0x1  }
0xb3: {  	[sflag:s29] =	ssyncadd.s32 $0xFFFFFFFF  }
0xb4: {  	_ =	strace $0x90000048  }
0xb5: {  	_ =	sfence  }
0xb6: {  	s30 =	sld [smem:$0x0];
	_ =	sdelay $0x2  }
0xb7: {  	s31 =	sshll.u32 s1, $0xD;
	s1 =	sshrl.u32 s1, $0x2  }
0xb8: {  	s3 =	sand.u32 $0x4000, s31;
	s1 =	sadd.s32 s1, s30  }
0xb9: {  	s0 =	sor.u32 s3, s0;
	s1 =	sshll.u32 s1, $0x11  }
0xba: {  	s0 =	sor.u32 s1, s0  }
0xbb: {  	s0 =	sadd.s32 $0x8F2B, s0  }
0xbc: {  	[sflag:s0] =	ssyncadd.remote.s32 $0x1  }
0xbd: {  	_ =	sfence.sel $0xFFFF  }
0xbe: {  	[dreg:$0x0] =	wrdreg $0xFFFFFFFF;
	(pc) =	sbr.abs _section_cstart, $3  }
0xbf: {  	[dreg:$0x1] =	wrdreg $0xFFFFFFFF  }
0xc0: {  	_ =	task.clear_ibuf [dreg:s6], $0x2FFFF;
	_ =	strace $0x9FFFFFFF  }
0xc1: {  	(tm) =	ssettm $0x7FFFFFFF  }
tec
execute0_lowered:
.L_overlay_start_1:
0x0: {  	(tag) =	ssettag $0x1  }
0x1: {  	s0 =	srdreg.scid;
	s5 =	rddreg [dreg:$0x0]  }
0x2: {  	s1 =	stileid.u32;
	s6 =	simm.s32 $0x1;
	s9 =	simm.s32 $0x1  }
0x3: {  	s10 =	simm.s32 $0x3;
	s13 =	simm.s32 $0x0;
	s2 =	sshll.u32 s0, $0x6  }
0x4: {  	s12 =	simm.s32 $0x0;
	s3 =	sshll.u32 s1, $0x7;
	s2 =	sand.u32 $0x40, s2  }
0x5: {  	s0 =	rddreg [dreg:$0x1];
	_ =	strace $0x80000047;
	s2 =	sor.u32 s3, s2  }
0x6: {  	s4 =	sadd.s32 $0x1E00, s5;
	[sflag:s6] =	ssyncpa.u1 $0x0;
	s8 =	ssub.s32 $0x2780, s2  }
.Ltmp0:
0x7: {  	s3 =	sadd.s32 $0x2400, s5;
	s7 =	sand.u32 $0x7C0, s8;
	(pc) =	sbr.rel .LBB2_1-.Ltmp0, $4  }
0x8: {  	s5 =	sadd.s32 $0x2A00, s5;
	s11 =	smov.u32 s2;
	p0 =	sne.s32 s7, $0x0  }
0x9: {  	s8 =	sshrl.u32 s8, $0xB;
	s7 =	simm.s32 $0x2;
	s9 =	simm.s32 @!p0 $0x0  }
0xa: {  	[sflag:s7] =	ssyncpa.u1 $0x0;
	p0 =	por $0x0, $0x0;
	s8 =	sadd.s32 s9, s8  }
0xb: {  	vm0 =	vmmov $0xffff;
	[sflag:s10] =	ssyncpa.u1 $0x0;
	s10 =	simm.s32 $0x0;
	s9 =	sadd.s32 $0x1, s8  }
.LBB2_4:
0xc: {  	v2 =	vnsel vm1, $0x0, v2  }
0xd: {  	vm1 =	vgt.s32 v0, $0x0;
	v2 =	vmin.u32 v2, $0x2780  }
0xe: {  	v0 =	vnsel vm1, $0x0, v0  }
0xf: {  	v0 =	vmin.u32 v0, $0x2780  }
0x10: {  	[tilespmem:s15], [sflag:$0x1] =	stream.indirect_vreg.gather [hbm4b:s3+s10], $0x1, v1, vm0, $0x4038;
	[tilespmem:$0x100] =	vst v63  }
0x11: {  	(ifvalue) =	ssetifvalue $0x7FFFFFFF  }
0x12: {  	[tilespmem:s16], [sflag:$0x1] =	stream.indirect_vreg.gather [hbm4b:s3+s10], $0x1, v2, vm0, $0x4038;
	[tilespmem:$0x100] =	vst v63  }
0x13: {  	s29 =	sadd.s32 $0x10, s16;
	(ifvalue) =	ssetifvalue $0x7FFFFFFF  }
0x14: {  	[tilespmem:s29], [sflag:$0x1] =	stream.indirect_vreg.gather [hbm4b:s3+s10], $0x1, v0, vm0, $0x4038;
	[tilespmem:$0x100] =	vst v63  }
0x15: {  	_ =	swait.ge [sflag:s6], $0x40  }
0x16: {  	s30 =	sshrl.u32 s13, $0x3;
	[sflag:s6] =	ssyncset.done $0x0  }
0x17: {  	s31 =	sand.u32 $0x7, s13;
	s15 =	sadd.s32 s5, s30;
	[sflag:s6] =	ssyncadd.s32 $0xFFFFFFC0  }
0x18: {  	[hbm4b:s15+s31] =	stream.linear.scatter [tilespmem:s14], [sflag:$0x3], $0x40, $0x38;
	[tilespmem:$0x100] =	vst v63  }
.LBB2_5:
0x19: {  	s15 =	sadd.s32 $0x800, s11  }
0x1a: {  	p2 =	sgt.s32 s15, $0x277F  }
0x1b: {  	s15 =	smov.u32 @p2 s2;
	p2 =	sne.s32 s12, s9  }
.Ltmp1:
0x1c: {  	p1 =	slt.u32 s12, $0x2;
	(pc) =	sbr.rel @!p2 .LBB2_6-.Ltmp1, $4  }
0x1d: {  	s14 =	simm.s32 @!p1 $0x3  }
0x1e: {  	s16 =	sadd.s32 $0x1, s12;
	_ =	swait.ge @!p1 [sflag:s14], $0x40  }
0x1f: {  	s13 =	smov.u32 s11;
	p0 =	por !p0, !p0;
	[sflag:s14] =	ssyncset.done @!p1 $0x0  }
0x20: {  	s12 =	smov.u32 s16;
	s11 =	smov.u32 s15;
	[sflag:s14] =	ssyncadd.s32 @!p1 $0xFFFFFFC0  }
.LBB2_1:
0x21: {  	p1 =	sge.u32 s12, s8  }
0x22: {  	s14 =	sxor.u32 @!p1 $0xFFFFFFFF, s12  }
0x23: {  	s31 =	sadd.s32 $0xFFFFFFFF, s12;
	s15 =	sshrl.u32 @!p1 s11, $0x3;
	s14 =	sshll.u32 @!p1 s14, $0x6  }
0x24: {  	s16 =	sand.u32 @!p1 $0x7, s11;
	s15 =	sadd.s32 @!p1 s4, s15;
	s14 =	sand.u32 @!p1 $0x40, s14  }
0x25: {  	[tilespmem:s14], [sflag:$0x2] =	stream.linear.gather @!p1 [hbm4b:s15+s16], $0x40, $0x38;
	[tilespmem:$0x100] =	vst v63  }
0x26: {  	p1 =	sge.u32 s31, s8  }
.Ltmp2:
0x27: {  	_ = 	snop;
	(pc) =	sbr.rel @p1 .LBB2_5-.Ltmp2, $1  }
0x28: {  	_ =	sdelay $0x3  }
0x29: {  	s14 =	simm.s32 $0x1  }
0x2a: {  	_ =	swait.ge [sflag:s7], $0x40;
	s14 =	simm.s32 @!p0 $0x0  }
0x2b: {  	[sflag:s7] =	ssyncset.done $0x0;
	s14 =	sshll.u32 s14, $0x6  }
0x2c: {  	[sflag:s7] =	ssyncadd.s32 $0xFFFFFFC0;
	(ifvalue) =	ssetifvalue $0x7FFFFFFF;
	v0 =	vld.msk [tilespmem:s14+$0x0 ss:$0x1], $0xffff;
	_ =	sdelay $0x4  }
0x2d: {  	s15 =	sadd.s32 $0x10, s14;
	vm1 =	vgt.s32 v0, $0x0  }
0x2e: {  	v2 =	vld.msk [tilespmem:s15+$0x0 ss:$0x1], $0xffff;
	v1 =	vnsel vm1, $0x0, v0  }
0x2f: {  	v1 =	vmin.u32 v1, $0x2780;
	_ =	sdelay $0x1  }
0x30: {  	s16 =	sshll.u32 s12, $0x6;
	s18 =	simm.s32 $0x20  }
0x31: {  	s16 =	sand.u32 $0x40, s16;
	s17 =	sadd.s32 $0x10, s15;
	s15 =	sor.u32 $0x80, s14  }
0x32: {  	s14 =	sor.u32 $0x80, s16;
	s16 =	sadd.s32 $0x10, s15;
	v0 =	vld.msk [tilespmem:s17+$0x0 ss:$0x1], $0xffff;
	vm1 =	vgt.s32 v2, $0x0;
	(ifvalue) =	ssetifvalue $0x7FFFFFFF  }
.LBB2_3:
0x33: {  	[tilespmem:s15], [sflag:$0x1] =	stream.indirect_vreg.gather [hbm4b:s3+s10], $0x1, v1, vm0, $0x4038;
	[tilespmem:$0x100] =	vst v63  }
0x34: {  	s18 =	sadd.s32 $0x10, s18  }
0x35: {  	v2 =	vnsel vm1, $0x0, v2;
	p1 =	slt.u32 s18, $0x30  }
.Ltmp3:
0x36: {  	s15 =	smov.u32 s16;
	v1 =	vmin.u32 v2, $0x2780;
	(pc) =	sbr.rel @p1 .LBB2_3-.Ltmp3, $3  }
0x37: {  	_ =	sdelay $0x1  }
0x38: {  	s17 =	sadd.s32 $0x10, s17  }
0x39: {  	vm1 =	vgt.s32 v0, $0x0;
	s16 =	sadd.s32 $0x10, s16;
	v2 =	vmov v0;
	(ifvalue) =	ssetifvalue $0x7FFFFFFF;
	v0 =	vld.msk [tilespmem:s17+$0x0 ss:$0x1], $0xffff  }
.Ltmp4:
0x3a: {  	_ = 	snop;
	(pc) =	sbr.rel .LBB2_4-.Ltmp4, $1  }
0x3b: {  	_ =	sdelay $0x3  }
.LBB2_6:
0x3c: {  	_ =	sfence.sel $0x180000  }
0x3d: {  	s2 =	simm.s32 $0x2;
	[bflag:$0x0] =	sbarrier.arrive $0xFFFF  }
0x3e: {  	s30 =	simm.s32 $0x3;
	[sflag:s2] =	ssyncpa.u1 $0x1  }
0x3f: {  	s31 =	simm.s32 $0x1;
	[sflag:s30] =	ssyncpa.u1 $0x1  }
0x40: {  	[sflag:s31] =	ssyncpa.u1 $0x1  }
0x41: {  	p0 =	sne.s32 s1, $0x0;
	_ =	strace $0x90000047  }
0x42: {  	s0 =	sadd.s32 @!p0 $0x100000, s0;
	[bflag:$0x2] =	sbarrier.arrive $0xFFFF  }
0x43: {  	[sflag:s0] =	ssyncadd.tile.s32 @!p0 $0x1;
	_ =	shalt  }
.Lfunc_end2:
_tile_overlayer_lowered:
.L_overlay_start_2:
0x44: {  	(tag) =	ssettag $0x2  }
0x45: {  	s0 =	rddreg [dreg:$0x0];
	s2 =	stileid.u32  }
0x46: {  	s1 =	rddreg [dreg:$0x1];
	p0 =	sne.s32 s2, $0x0  }
0x47: {  	s3 =	rddreg [dreg:$0x2];
	[bflag:$0x3] =	sbarrier.arrive $0xFFFF;
	s2 =	simm.s32 @!p0 $0x1C01  }
0x48: {  	[timem:s3], [sflag:s2] =	dma.local @!p0 [hbm:s0], s1  }
0x49: {  	s0 =	simm.s32 @!p0 $0x1  }
0x4a: {  	_ =	swait.ge @!p0 [sflag:s0], s1  }
0x4b: {  	s1 =	ssub.s32 @!p0 $0x0, s1;
	[sflag:s0] =	ssyncset.done @!p0 $0x0  }
0x4c: {  	[sflag:s0] =	ssyncadd.s32 @!p0 s1  }
0x4d: {  	[bflag:$0x3] =	sbarrier.arrive $0xFFFF  }
0x4e: {  	_ =	shalt  }

// kernel: kernel.4.cloned.1.call-start
scs
__scs_entry_jumppad:
0x0: {  	(pc) =	sbr.rel $0x88, $3  }
0x1: {  	(tag) =	ssettag $0x0;
	lr =	simm.s32 $0x1  }
0x2: {  	[smem:$0x3F9A] =	sst lr;
	_ =	strace $0xD0000000  }
0x3: {  	_ = 	snop  }
0x4: {  	_ = 	snop  }
0x5: {  	_ = 	snop  }
0x6: {  	_ = 	snop  }
0x7: {  	_ = 	snop  }
__scs_overlays_trampoline_lowered:
0x8: {  	[smem:$0x3FA9] =	sst s0  }
0x9: {  	[smem:$0x3FAA] =	sst s1  }
0xa: {  	[smem:$0x3FAB] =	sst s2  }
0xb: {  	[smem:$0x3FAC] =	sst s3  }
0xc: {  	[smem:$0x3FAD] =	sst s4  }
0xd: {  	[smem:$0x3FAE] =	sst s5  }
0xe: {  	[smem:$0x3FAF] =	sst s6  }
0xf: {  	[smem:$0x3FB0] =	sst s7  }
0x10: {  	[smem:$0x3FB1] =	sst s8  }
0x11: {  	[smem:$0x3FB2] =	sst s9;
	s0 =	simm.s32 @!p0 $0x0  }
0x12: {  	s1 =	sld [smem:$0x3F98];
	s0 =	simm.s32 @p0 $0x1  }
0x13: {  	[smem:$0x3FB3] =	sst s0;
	s0 =	simm.s32 @!p1 $0x0  }
0x14: {  	s2 =	sld [smem:$0x3F97];
	s0 =	simm.s32 @p1 $0x1  }
0x15: {  	[smem:$0x3FB4] =	sst s0;
	s0 =	simm.s32 @!p2 $0x0  }
0x16: {  	s3 =	sld [smem:$0x3FDB];
	s0 =	simm.s32 @p2 $0x1  }
0x17: {  	s4 =	simm.s32 $0x1BF5;
	[smem:$0x3FB6] =	sst s0  }
0x18: {  	s0 =	sld [smem:$0x3F99];
	_ =	swait.ge [sflag:s4], $0x0  }
0x19: {  	s7 =	sld [smem:$0x3F9A]  }
0x1a: {  	s8 =	sadd.s32 $0xFFFFE003, lr  }
0x1b: {  	s9 =	sadd.s32 $0xFFFFFEF7, lr;
	s5 =	simm.s32 $0xFFFFFFFF;
	p2 =	slt.u32 s8, $0xFFFFF086  }
0x1c: {  	p1 =	slt.u32 s9, $0xF7A;
	s5 =	simm.s32 @!p2 $0x0  }
0x1d: {  	s5 =	simm.s32 @p1 $0x1;
	p0 =	seq.s32 s7, s2  }
0x1e: {  	s7 =	smul.u32 @!p0 $0xF7A, s2;
	p2 =	seq.s32 @!p0 s5, $0x0  }
0x1f: {  	s9 =	smul.u32 $0xF7A, s1;
	s8 =	simm.s32 @!p0 $0x1BF5;
	p2 =	por !p2, p0  }
0x20: {  	[sflag:s8] =	ssyncset.s32 @!p0 $0xFFFFF086;
	s6 =	sadd.s32 @!p0 s3, s7;
	s7 =	simm.s32 @!p0 $0x108  }
0x21: {  	s3 =	sadd.s32 s3, s9;
	s6 =	sadd.s32 @!p0 $0x88, s6;
	s7 =	simm.s32 @p2 $0x1082  }
0x22: {  	[simem:s7], [sflag:s8] =	dma.local @!p0 [hbm:s6], $0xF7A  }
0x23: {  	s9 =	sor.u32 $0xD0000000, s2;
	s6 =	simm.s32 $0x108;
	_ =	swait.ge @!p0 [sflag:s8], $0x0  }
0x24: {  	s3 =	sadd.s32 $0x88, s3;
	s6 =	simm.s32 @!p1 $0x1082;
	[sflag:s4] =	ssyncset.s32 $0xFFFFF086  }
0x25: {  	[simem:s6], [sflag:s4] =	dma.local [hbm:s3], $0xF7A  }
0x26: {  	[smem:$0x3F9A] =	sst s1;
	(tag) =	ssettag s2;
	_ =	strace s9  }
0x27: {  	s1 =	sld [smem:$0x3FAA]  }
0x28: {  	s2 =	sld [smem:$0x3FAB]  }
0x29: {  	s4 =	sld [smem:$0x3FAD]  }
0x2a: {  	p0 =	seq.s32 s5, $0x0;
	s5 =	sld [smem:$0x3FAE]  }
0x2b: {  	s6 =	sld [smem:$0x3FAF]  }
0x2c: {  	s7 =	sld [smem:$0x3FB0]  }
0x2d: {  	s3 =	simm.s32 $0x108;
	s8 =	sld [smem:$0x3FB1]  }
0x2e: {  	s3 =	simm.s32 @!p0 $0x1082;
	s9 =	sld [smem:$0x3FB2]  }
0x2f: {  	lr =	sadd.s32 s0, s3;
	s0 =	sld [smem:$0x3FA9]  }
0x30: {  	s3 =	sld [smem:$0x3FAC]  }
0x31: {  	[smem:$0x3FB5] =	sst s10  }
0x32: {  	s10 =	sld [smem:$0x3FB3];
	_ =	sdelay $0x3  }
0x33: {  	p0 =	seq.s32 s10, $0x1;
	s10 =	sld [smem:$0x3FB5];
	_ =	sdelay $0x3  }
0x34: {  	[smem:$0x3FB5] =	sst s10  }
0x35: {  	s10 =	sld [smem:$0x3FB4];
	_ =	sdelay $0x3  }
0x36: {  	p1 =	seq.s32 s10, $0x1;
	s10 =	sld [smem:$0x3FB5];
	_ =	sdelay $0x3  }
0x37: {  	[smem:$0x3FB5] =	sst s10  }
0x38: {  	s10 =	sld [smem:$0x3FB6]  }
0x39: {  	_ = 	snop;
	(pc) =	sbr.ind lr, $3  }
0x3a: {  	_ = 	snop  }
0x3b: {  	_ = 	snop  }
0x3c: {  	p2 =	seq.s32 s10, $0x1;
	s10 =	sld [smem:$0x3FB5]  }
0x3d: {  	_ =	shalt  }
0x3e: {  	_ =	shalt  }
0x3f: {  	_ =	shalt  }
0x40: {  	_ =	shalt  }
0x41: {  	_ =	shalt  }
0x42: {  	_ =	shalt  }
0x43: {  	_ =	shalt  }
0x44: {  	_ =	shalt  }
0x45: {  	_ =	shalt  }
0x46: {  	_ =	shalt  }
0x47: {  	_ =	shalt  }
0x48: {  	_ =	shalt  }
0x49: {  	_ =	shalt  }
0x4a: {  	_ =	shalt  }
0x4b: {  	_ =	shalt  }
0x4c: {  	_ =	shalt  }
0x4d: {  	_ =	shalt  }
0x4e: {  	_ =	shalt  }
0x4f: {  	_ =	shalt  }
0x50: {  	_ =	shalt  }
0x51: {  	_ =	shalt  }
0x52: {  	_ =	shalt  }
0x53: {  	_ =	shalt  }
0x54: {  	_ =	shalt  }
0x55: {  	_ =	shalt  }
0x56: {  	_ =	shalt  }
0x57: {  	_ =	shalt  }
0x58: {  	_ =	shalt  }
0x59: {  	_ =	shalt  }
0x5a: {  	_ =	shalt  }
0x5b: {  	_ =	shalt  }
0x5c: {  	_ =	shalt  }
0x5d: {  	_ =	shalt  }
0x5e: {  	_ =	shalt  }
0x5f: {  	_ =	shalt  }
0x60: {  	_ =	shalt  }
0x61: {  	_ =	shalt  }
0x62: {  	_ =	shalt  }
0x63: {  	_ =	shalt  }
0x64: {  	_ =	shalt  }
0x65: {  	_ =	shalt  }
0x66: {  	_ =	shalt  }
0x67: {  	_ =	shalt  }
0x68: {  	_ =	shalt  }
0x69: {  	_ =	shalt  }
0x6a: {  	_ =	shalt  }
0x6b: {  	_ =	shalt  }
0x6c: {  	_ =	shalt  }
0x6d: {  	_ =	shalt  }
0x6e: {  	_ =	shalt  }
0x6f: {  	_ =	shalt  }
0x70: {  	_ =	shalt  }
0x71: {  	_ =	shalt  }
0x72: {  	_ =	shalt  }
0x73: {  	_ =	shalt  }
0x74: {  	_ =	shalt  }
0x75: {  	_ =	shalt  }
0x76: {  	_ =	shalt  }
0x77: {  	_ =	shalt  }
0x78: {  	_ =	shalt  }
0x79: {  	_ =	shalt  }
0x7a: {  	_ =	shalt  }
0x7b: {  	_ =	shalt  }
0x7c: {  	_ =	shalt  }
0x7d: {  	_ =	shalt  }
0x7e: {  	_ =	shalt  }
0x7f: {  	_ =	shalt  }
0x80: {  	_ =	shalt  }
0x81: {  	_ =	shalt  }
0x82: {  	_ =	shalt  }
0x83: {  	_ =	shalt  }
0x84: {  	_ =	shalt  }
0x85: {  	_ =	shalt  }
0x86: {  	_ =	shalt  }
0x87: {  	_ =	shalt  }
.Lfunc_end0:
.L_simem_size_0:
called_computation.2_lowered:
.L_overlay_start_0:
0x88: {  	s2 =	sld [smem:$0x3FD9]  }
0x89: {  	s3 =	sld [smem:$0x3FFE];
	_ =	sdelay $0x1  }
0x8a: {  	s1 =	srdreg.scid  }
0x8b: {  	s0 =	sand.u32 $0x1, s1  }
0x8c: {  	s17 =	sshll.u32 s0, $0xA;
	s2 =	sadd.s32 s3, s2  }
0x8d: {  	s2 =	sadd.s32 s2, s17  }
0x8e: {  	[smem:$0x3FC1] =	sst s2  }
0x8f: {  	_ = 	snop  }
0x90: {  	s18 =	sld [smem:$0x3FC9]  }
0x91: {  	s4 =	sld [smem:$0x3FD0];
	(tm) =	ssettm $0x1  }
0x92: {  	s19 =	sld [smem:$0x3FFB];
	_ =	sdelay $0x3  }
0x93: {  	_ =	strace s19  }
0x94: {  	s2 =	sld [smem:$0x3FFC];
	_ =	sdelay $0x3  }
0x95: {  	_ =	strace s2  }
0x96: {  	s2 =	sld [smem:$0x3FFD];
	_ =	sdelay $0x3  }
0x97: {  	_ =	strace s2  }
0x98: {  	_ =	strace $0x8FFFFFFF  }
0x99: {  	s20 =	sld [smem:$0x3FDB];
	_ =	sdelay $0x1  }
0x9a: {  	s5 =	simm.s32 $_scs_section_size  }
0x9b: {  	s6 =	simm.s32 $_size__tile_overlayer_lowered;
	s7 =	simm.s32 $_tile_overlayer_lowered  }
0x9c: {  	s8 =	simm.s32 $0x1BFF;
	s21 =	sshll.u32 s7, $0x1;
	s5 =	sadd.s32 s5, s20  }
0x9d: {  	s22 =	simm.s32 $0x0;
	s6 =	sshll.u32 s6, $0x1;
	s7 =	sadd.s32 s21, s5  }
0x9e: {  	[timem:s22], [sflag:s8] =	dma.local [hbm:s7], s6  }
0x9f: {  	_ =	swait.ge [sflag:s8], s6  }
0xa0: {  	s6 =	ssub.s32 $0x0, s6;
	[sflag:s8] =	ssyncset.done $0x0  }
0xa1: {  	[sflag:s8] =	ssyncadd.s32 s6;
	_ =	sdelay $0x1  }
0xa2: {  	s23 =	simm.s32 $0x1B8B  }
0xa3: {  	_ =	swait.ge [sflag:s23], $0x1  }
0xa4: {  	[sflag:s23] =	ssyncset.done $0x0  }
0xa5: {  	[sflag:s23] =	ssyncadd.s32 $0xFFFFFFFF  }
0xa6: {  	s6 =	sld [smem:$0x0]  }
0xa7: {  	s7 =	sand.u32 $0xFFFFFFFE, s1  }
0xa8: {  	p0 =	sne.s32 s1, s7  }
0xa9: {  	s7 =	sshll.u32 @p0 s7, $0xE  }
0xaa: {  	s7 =	sadd.s32 @p0 $0x11B8D, s7;
	s8 =	sshll.u32 @p0 s6, $0x11  }
0xab: {  	s7 =	sor.u32 @p0 s8, s7  }
0xac: {  	[sflag:s7] =	ssyncadd.remote.s32 @p0 $0x1;
	_ =	sdelay $0x1  }
0xad: {  	s7 =	simm.s32 @p0 $0x1B8D  }
0xae: {  	_ =	swait.eq @p0 [sflag:s7], $0x1  }
0xaf: {  	[sflag:s7] =	ssyncadd.s32 @p0 $0xFFFFFFFF  }
0xb0: {  	s8 =	sshll.u32 @!p0 s1, $0xE  }
0xb1: {  	s8 =	sor.u32 @!p0 $0x4000, s8;
	s7 =	simm.s32 @!p0 $0x1B8D  }
0xb2: {  	s6 =	sshll.u32 @!p0 s6, $0x11;
	s8 =	sadd.s32 @!p0 $0x11B8D, s8;
	_ =	swait.eq @!p0 [sflag:s7], $0x1  }
0xb3: {  	s6 =	sor.u32 @!p0 s6, s8;
	[sflag:s7] =	ssyncadd.s32 @!p0 $0xFFFFFFFF  }
0xb4: {  	s25 =	simm.s32 $0x1B8E;
	s24 =	sld [smem:$0x3FFE];
	[sflag:s6] =	ssyncadd.remote.s32 @!p0 $0x1  }
0xb5: {  	s26 =	simm.s32 $execute0_lowered;
	[smem:$0x3FD2] =	sst s25  }
0xb6: {  	s7 =	sshll.u32 s26, $0x1;
	_ =	strace $0x8000004C;
	[dreg:$0x1] =	wrdreg $0xFFFFFFFF  }
0xb7: {  	s28 =	simm.s32 $_size_execute0_lowered;
	s5 =	sadd.s32 s5, s7;
	[dreg:$0x0] =	wrdreg $0x0  }
0xb8: {  	s7 =	sshll.u32 s28, $0x1;
	[dreg:$0x2] =	wrdreg s5  }
0xb9: {  	[dreg:$0x3] =	wrdreg s7  }
0xba: {  	[dreg:$0x4] =	wrdreg $0xC0  }
0xbb: {  	_ =	task [dreg:s22], $0x5FFFF  }
0xbc: {  	[dreg:$0x1] =	wrdreg $0xFFFFFFFF  }
0xbd: {  	[dreg:$0x0] =	wrdreg $0x60  }
0xbe: {  	[dreg:$0x2] =	wrdreg s18  }
0xbf: {  	[dreg:$0x3] =	wrdreg s4  }
0xc0: {  	[dreg:$0x4] =	wrdreg s24  }
0xc1: {  	[dreg:$0x5] =	wrdreg $0xB  }
0xc2: {  	_ =	task.clear_ibuf [dreg:s22], $0x6FFFF;
	_ =	strace $0x9000004C  }
0xc3: {  	s29 =	simm.s32 $0xB;
	_ =	strace $0x8000004E  }
0xc4: {  	_ =	swait.ge [sflag:s29], $0x1  }
0xc5: {  	[sflag:s29] =	ssyncadd.s32 $0xFFFFFFFF  }
0xc6: {  	_ =	strace $0x9000004E  }
0xc7: {  	_ =	sfence  }
0xc8: {  	s30 =	sld [smem:$0x0];
	_ =	sdelay $0x2  }
0xc9: {  	s31 =	sshll.u32 s1, $0xD;
	s1 =	sshrl.u32 s1, $0x2  }
0xca: {  	s4 =	sand.u32 $0x4000, s31;
	s1 =	sadd.s32 s1, s30  }
0xcb: {  	s0 =	sor.u32 s4, s0;
	s1 =	sshll.u32 s1, $0x11  }
0xcc: {  	s0 =	sor.u32 s1, s0  }
0xcd: {  	s0 =	sadd.s32 $0x8F2B, s0  }
0xce: {  	[sflag:s0] =	ssyncadd.remote.s32 $0x1  }
0xcf: {  	_ =	sfence.sel $0xFFFF  }
0xd0: {  	[dreg:$0x0] =	wrdreg $0xFFFFFFFF;
	(pc) =	sbr.abs _section_cstart, $3  }
0xd1: {  	[dreg:$0x1] =	wrdreg $0xFFFFFFFF  }
0xd2: {  	_ =	task.clear_ibuf [dreg:s22], $0x2FFFF;
	_ =	strace $0x9FFFFFFF  }
0xd3: {  	(tm) =	ssettm $0x7FFFFFFF  }
tec
execute0_lowered:
.L_overlay_start_1:
0x0: {  	(tag) =	ssettag $0x1  }
0x1: {  	s1 =	rddreg [dreg:$0x0]  }
0x2: {  	s5 =	rddreg [dreg:$0x1];
	s2 =	srdreg.scid  }
0x3: {  	s0 =	stileid.u32;
	s4 =	rddreg [dreg:$0x2];
	s3 =	simm.s32 $0x0  }
0x4: {  	s12 =	simm.s32 $0x6C00;
	s13 =	simm.s32 $0x100;
	s14 =	simm.s32 $0xAC00  }
0x5: {  	s15 =	simm.s32 $0x180;
	s16 =	simm.s32 $0xEC00;
	s17 =	simm.s32 $0x1  }
0x6: {  	s18 =	simm.s32 $0x2;
	s6 =	sand.u32 $0x1, s2;
	s7 =	sshll.u32 s0, $0x1  }
0x7: {  	s2 =	rddreg [dreg:$0x3];
	s11 =	smul.u32 $0x2A0000, s0;
	s7 =	sor.u32 s6, s7  }
0x8: {  	s19 =	simm.s32 $0x0;
	[smem:$0x7FF] =	sst s3;
	s8 =	smul.u32 $0x580, s7  }
0x9: {  	s4 =	sadd.s32 $0x3600, s4;
	s9 =	ssub.s32 $0x2, s6;
	s7 =	smul.u32 $0x150000, s7  }
0xa: {  	_ =	strace $0x8000004D;
	s31 =	smul.u32 $0x150000, s6;
	s10 =	sshrl.u32 s9, $0x1  }
0xb: {  	s9 =	ssub.s32 s9, s10;
	s10 =	simm.s32 $0x80;
	s7 =	sshrl.u32 s7, $0x3  }
0xc: {  	s5 =	sadd.s32 s5, s8;
	s6 =	smax.u32 s9, $0x1;
	s8 =	sadd.s32 s31, s11  }
0xd: {  	s9 =	simm.s32 $0x3;
	s11 =	simm.s32 $0x2C00;
	s7 =	sadd.s32 s4, s7  }
.LBB2_1:
0xe: {  	[tilespmem:s3], [sflag:$0x3] =	stream.linear.gather [hbm4b:s5+s3], $0x2A00, $0x38;
	[tilespmem:$0x12C00] =	vst v63  }
0xf: {  	_ =	swait.ge [sflag:s9], $0x2A00  }
0x10: {  	[sflag:s9] =	ssyncset.done $0x0  }
0x11: {  	[sflag:s9] =	ssyncadd.s32 $0xFFFFD600  }
0x12: {  	[tilespmem:s11], [sflag:$0x1] =	stream.indirect.gather [hbm4b:s1+s10], $0x80, s3, s10, $0xb8;
	[tilespmem:$0x12C00] =	vst v63  }
0x13: {  	_ = 	snop  }
0x14: {  	[tilespmem:s12], [sflag:$0x1] =	stream.indirect.gather [hbm4b:s1+s10], $0x80, s10, s10, $0xb8;
	[tilespmem:$0x12C00] =	vst v63  }
0x15: {  	_ = 	snop  }
0x16: {  	[tilespmem:s14], [sflag:$0x1] =	stream.indirect.gather [hbm4b:s1+s10], $0x80, s13, s10, $0xb8;
	[tilespmem:$0x12C00] =	vst v63  }
0x17: {  	_ = 	snop  }
0x18: {  	[tilespmem:s16], [sflag:$0x1] =	stream.indirect.gather [hbm4b:s1+s10], $0x80, s15, s10, $0xb8;
	[tilespmem:$0x12C00] =	vst v63  }
0x19: {  	_ =	swait.ge [sflag:s17], $0x4000  }
0x1a: {  	[sflag:s17] =	ssyncset.done $0x0  }
0x1b: {  	[sflag:s17] =	ssyncadd.s32 $0xFFFFC000  }
0x1c: {  	_ =	swait.ge [sflag:s17], $0x4000  }
0x1d: {  	[sflag:s17] =	ssyncset.done $0x0  }
0x1e: {  	[sflag:s17] =	ssyncadd.s32 $0xFFFFC000  }
0x1f: {  	_ =	swait.ge [sflag:s17], $0x4000  }
0x20: {  	[sflag:s17] =	ssyncset.done $0x0  }
0x21: {  	[sflag:s17] =	ssyncadd.s32 $0xFFFFC000  }
0x22: {  	_ =	swait.ge [sflag:s17], $0x4000  }
0x23: {  	[sflag:s17] =	ssyncset.done $0x0  }
0x24: {  	[sflag:s17] =	ssyncadd.s32 $0xFFFFC000  }
0x25: {  	[hbm4b:s7+s3] =	stream.linear.scatter [tilespmem:s11], [sflag:$0x2], $0x10000, $0x38;
	[tilespmem:$0x12C00] =	vst v63  }
0x26: {  	_ =	swait.ge [sflag:s18], $0x10000  }
0x27: {  	[sflag:s18] =	ssyncset.done $0x0  }
0x28: {  	s20 =	simm.s32 $0x200;
	[sflag:s18] =	ssyncadd.s32 $0xFFFF0000  }
0x29: {  	[tilespmem:s11], [sflag:$0x1] =	stream.indirect.gather [hbm4b:s1+s10], $0x80, s20, s10, $0xb8;
	[tilespmem:$0x12C00] =	vst v63  }
0x2a: {  	s29 =	simm.s32 $0x280  }
0x2b: {  	[tilespmem:s12], [sflag:$0x1] =	stream.indirect.gather [hbm4b:s1+s10], $0x80, s29, s10, $0xb8;
	[tilespmem:$0x12C00] =	vst v63  }
0x2c: {  	s30 =	simm.s32 $0x300  }
0x2d: {  	[tilespmem:s14], [sflag:$0x1] =	stream.indirect.gather [hbm4b:s1+s10], $0x80, s30, s10, $0xb8;
	[tilespmem:$0x12C00] =	vst v63  }
0x2e: {  	s31 =	simm.s32 $0x380  }
0x2f: {  	[tilespmem:s16], [sflag:$0x1] =	stream.indirect.gather [hbm4b:s1+s10], $0x80, s31, s10, $0xb8;
	[tilespmem:$0x12C00] =	vst v63  }
0x30: {  	_ =	swait.ge [sflag:s17], $0x4000  }
0x31: {  	[sflag:s17] =	ssyncset.done $0x0  }
0x32: {  	[sflag:s17] =	ssyncadd.s32 $0xFFFFC000  }
0x33: {  	_ =	swait.ge [sflag:s17], $0x4000  }
0x34: {  	[sflag:s17] =	ssyncset.done $0x0  }
0x35: {  	[sflag:s17] =	ssyncadd.s32 $0xFFFFC000  }
0x36: {  	_ =	swait.ge [sflag:s17], $0x4000  }
0x37: {  	[sflag:s17] =	ssyncset.done $0x0  }
0x38: {  	s21 =	sadd.s32 $0x10000, s8;
	[sflag:s17] =	ssyncadd.s32 $0xFFFFC000  }
0x39: {  	s21 =	sshrl.u32 s21, $0x3;
	_ =	swait.ge [sflag:s17], $0x4000  }
0x3a: {  	s22 =	sadd.s32 s4, s21;
	[sflag:s17] =	ssyncset.done $0x0  }
0x3b: {  	s21 =	simm.s32 $0x580;
	s20 =	simm.s32 $0x20000;
	[sflag:s17] =	ssyncadd.s32 $0xFFFFC000  }
.LBB2_2:
0x3c: {  	[hbm4b:s22+s3] =	stream.linear.scatter [tilespmem:s11], [sflag:$0x2], $0x10000, $0x38;
	[tilespmem:$0x12C00] =	vst v63  }
0x3d: {  	s22 =	smov.u32 s20  }
0x3e: {  	p0 =	sne.s32 s20, $0x140000;
	s20 =	sadd.s32 $0x10000, s20;
	_ =	swait.ge [sflag:s18], $0x10000  }
0x3f: {  	[sflag:s18] =	ssyncset.done $0x0  }
0x40: {  	s23 =	sadd.s32 $0xFFFFFE80, s21;
	[sflag:s18] =	ssyncadd.s32 $0xFFFF0000  }
0x41: {  	[tilespmem:s11], [sflag:$0x1] =	stream.indirect.gather [hbm4b:s1+s10], $0x80, s23, s10, $0xb8;
	[tilespmem:$0x12C00] =	vst v63  }
0x42: {  	s23 =	sadd.s32 $0xFFFFFF00, s21  }
0x43: {  	[tilespmem:s12], [sflag:$0x1] =	stream.indirect.gather [hbm4b:s1+s10], $0x80, s23, s10, $0xb8;
	[tilespmem:$0x12C00] =	vst v63  }
0x44: {  	s23 =	sadd.s32 $0xFFFFFF80, s21  }
0x45: {  	[tilespmem:s14], [sflag:$0x1] =	stream.indirect.gather [hbm4b:s1+s10], $0x80, s23, s10, $0xb8;
	[tilespmem:$0x12C00] =	vst v63  }
0x46: {  	_ = 	snop  }
0x47: {  	[tilespmem:s16], [sflag:$0x1] =	stream.indirect.gather [hbm4b:s1+s10], $0x80, s21, s10, $0xb8;
	[tilespmem:$0x12C00] =	vst v63  }
0x48: {  	_ =	swait.ge [sflag:s17], $0x4000  }
0x49: {  	[sflag:s17] =	ssyncset.done $0x0  }
0x4a: {  	[sflag:s17] =	ssyncadd.s32 $0xFFFFC000  }
0x4b: {  	_ =	swait.ge [sflag:s17], $0x4000  }
0x4c: {  	[sflag:s17] =	ssyncset.done $0x0  }
0x4d: {  	[sflag:s17] =	ssyncadd.s32 $0xFFFFC000  }
0x4e: {  	_ =	swait.ge [sflag:s17], $0x4000  }
.Ltmp0:
0x4f: {  	[sflag:s17] =	ssyncset.done $0x0;
	(pc) =	sbr.rel @p0 .LBB2_2-.Ltmp0, $4  }
0x50: {  	[sflag:s17] =	ssyncadd.s32 $0xFFFFC000  }
0x51: {  	s22 =	sadd.s32 s22, s8;
	_ =	swait.ge [sflag:s17], $0x4000  }
0x52: {  	s22 =	sshrl.u32 s22, $0x3;
	[sflag:s17] =	ssyncset.done $0x0  }
0x53: {  	s22 =	sadd.s32 s4, s22;
	s21 =	sadd.s32 $0x200, s21;
	[sflag:s17] =	ssyncadd.s32 $0xFFFFC000  }
0x54: {  	s19 =	sadd.s32 $0x1, s19  }
0x55: {  	p0 =	sne.s32 s19, s6  }
.Ltmp1:
0x56: {  	_ = 	snop;
	(pc) =	sbr.rel @p0 .LBB2_1-.Ltmp1, $4  }
0x57: {  	[hbm4b:s22+s3] =	stream.linear.scatter [tilespmem:s11], [sflag:$0x2], $0x10000, $0x38;
	[tilespmem:$0x12C00] =	vst v63  }
0x58: {  	_ =	swait.ge [sflag:s18], $0x10000  }
0x59: {  	[sflag:s18] =	ssyncset.done $0x0  }
0x5a: {  	[sflag:s18] =	ssyncadd.s32 $0xFFFF0000  }
0x5b: {  	_ =	sfence.sel $0x180000  }
0x5c: {  	[bflag:$0x0] =	sbarrier.arrive $0xFFFF  }
0x5d: {  	p0 =	sne.s32 s0, $0x0;
	_ =	strace $0x9000004D  }
0x5e: {  	s0 =	sadd.s32 @!p0 $0x100000, s2;
	[bflag:$0x2] =	sbarrier.arrive $0xFFFF  }
0x5f: {  	[sflag:s0] =	ssyncadd.tile.s32 @!p0 $0x1;
	_ =	shalt  }
.Lfunc_end2:
_tile_overlayer_lowered:
.L_overlay_start_2:
0x60: {  	(tag) =	ssettag $0x2  }
0x61: {  	s0 =	rddreg [dreg:$0x0];
	s2 =	stileid.u32  }
0x62: {  	s1 =	rddreg [dreg:$0x1];
	p0 =	sne.s32 s2, $0x0  }
0x63: {  	s3 =	rddreg [dreg:$0x2];
	[bflag:$0x3] =	sbarrier.arrive $0xFFFF;
	s2 =	simm.s32 @!p0 $0x1C03  }
0x64: {  	[timem:s3], [sflag:s2] =	dma.local @!p0 [hbm:s0], s1  }
0x65: {  	s0 =	simm.s32 @!p0 $0x3  }
0x66: {  	_ =	swait.ge @!p0 [sflag:s0], s1  }
0x67: {  	s1 =	ssub.s32 @!p0 $0x0, s1;
	[sflag:s0] =	ssyncset.done @!p0 $0x0  }
0x68: {  	[sflag:s0] =	ssyncadd.s32 @!p0 s1  }
0x69: {  	[bflag:$0x3] =	sbarrier.arrive $0xFFFF  }
0x6a: {  	_ =	shalt  }

</sc_bundles>
